<compile_context>
chip_gen: v7x
topology: tpu7x:2x2x1
jax: 0.10.2.dev20260603
libtpu: 0.0.44.dev20260713+nightly
codegen_flags: <defaults>
</compile_context>

<pallas_src>
import functools

import jax
import jax.numpy as jnp
from jax import lax
from jax.experimental import pallas as pl
from jax.experimental.pallas import tpu as pltpu
from jax.experimental.pallas import tpu_sc as plsc

NUM_FIELDS = 26
FIELD_SIZE = 100000
BATCH = 16384
TABLE_ROWS = NUM_FIELDS * FIELD_SIZE
MAIN_LIM = 2599936
TAIL = TABLE_ROWS - MAIN_LIM

NC, NS, L = 2, 16, 16
NW = NC * NS
B_PER_W = BATCH // NW
N_CHUNK = B_PER_W // L
F_G = NUM_FIELDS // 2
E_G = F_G * B_PER_W
LAST = NUM_FIELDS - 1


def _sc_body(xt_hbm, w_hbm, b_hbm, out_hbm,
             idxa_v, idxb_v, valsa_v, valsb_v, out_v,
             bias_v, sema, semb, gsema, gsemb):
    wid = lax.axis_index("s") * NC + lax.axis_index("c")
    obase = wid * B_PER_W

    copies_a = [
        pltpu.async_copy(xt_hbm.at[f, pl.ds(obase, B_PER_W)],
                         idxa_v.at[pl.ds(f * B_PER_W, B_PER_W)], sema)
        for f in range(F_G)
    ]
    copies_b = [
        pltpu.async_copy(xt_hbm.at[F_G + f, pl.ds(obase, B_PER_W)],
                         idxb_v.at[pl.ds(f * B_PER_W, B_PER_W)], semb)
        for f in range(F_G)
    ]
    pltpu.sync_copy(b_hbm, bias_v)

    for c in copies_a:
        c.wait()

    def add_a(j, _):
        for fl in range(1, F_G):
            sl = pl.ds(fl * B_PER_W + j * L, L)
            idxa_v[sl] = idxa_v[sl] + fl * FIELD_SIZE
        return _
    lax.fori_loop(0, N_CHUNK, add_a, None)
    ga = pltpu.async_copy(w_hbm.at[idxa_v], valsa_v, gsema)

    for c in copies_b:
        c.wait()

    def add_b(j, _):
        for fl in range(F_G):
            sl = pl.ds(fl * B_PER_W + j * L, L)
            idxb_v[sl] = idxb_v[sl] + (F_G + fl) * FIELD_SIZE
        return _
    lax.fori_loop(0, N_CHUNK, add_b, None)
    gb = pltpu.async_copy(w_hbm.at[idxb_v], valsb_v, gsemb)

    bias16 = bias_v[...]
    ga.wait()

    def red_a(j, _):
        acc = bias16
        for fl in range(F_G):
            acc = acc + valsa_v[pl.ds(fl * B_PER_W + j * L, L)]
        out_v[pl.ds(j * L, L)] = acc
        return _
    lax.fori_loop(0, N_CHUNK, red_a, None)

    gb.wait()

    def red_b(j, _):
        acc = out_v[pl.ds(j * L, L)]
        for fl in range(F_G):
            acc = acc + valsb_v[pl.ds(fl * B_PER_W + j * L, L)]
        out_v[pl.ds(j * L, L)] = acc
        return _
    lax.fori_loop(0, N_CHUNK, red_b, None)

    pltpu.sync_copy(out_v, out_hbm.at[pl.ds(obase, B_PER_W)])


@jax.jit
def _features_linear(xt, w, bias16):
    mesh = plsc.VectorSubcoreMesh(core_axis_name="c", subcore_axis_name="s",
                                  num_cores=NC, num_subcores=NS)
    out = pl.kernel(
        _sc_body,
        out_type=jax.ShapeDtypeStruct((BATCH,), jnp.float32),
        mesh=mesh,
        scratch_types=[
            pltpu.VMEM((E_G,), jnp.int32),
            pltpu.VMEM((E_G,), jnp.int32),
            pltpu.VMEM((E_G,), jnp.float32),
            pltpu.VMEM((E_G,), jnp.float32),
            pltpu.VMEM((B_PER_W,), jnp.float32),
            pltpu.VMEM((L,), jnp.float32),
            pltpu.SemaphoreType.DMA,
            pltpu.SemaphoreType.DMA,
            pltpu.SemaphoreType.DMA,
            pltpu.SemaphoreType.DMA,
        ],
        compiler_params=pltpu.CompilerParams(
            needs_layout_passes=False,
            use_tc_tiling_on_sc=True,
        ),
    )(xt, w, bias16)
    return out


def kernel(x, fc_weight, bias):
    xt = x.T
    w = fc_weight.reshape(-1)
    bias16 = jnp.broadcast_to(bias, (L,))
    out = _features_linear(xt, w, bias16)
    return out.reshape(BATCH, 1)

# --- scband reference (transcript-rebuilt; emitter-appended) ---
"""Pipeline reference for scband-features-linear-90752658964507 (READ-ONLY COPY).

The authoritative reference and input builder live on the scoring server;
editing this copy changes nothing except your own understanding.
"""

import jax, jax.numpy as jnp
import numpy as np

FIELD_DIMS = [100000] * 26
OUTPUT_DIM = 1
BATCH = 16384


def setup_inputs(seed: int = 0) -> dict:
    key = jax.random.key(seed)
    k1, k2 = jax.random.split(key)
    x = jax.random.randint(k1, (BATCH, len(FIELD_DIMS)), 0, 100000, dtype=jnp.int64 if jax.config.jax_enable_x64 else jnp.int32).astype(jnp.int32)
    total = sum(FIELD_DIMS)
    fc_weight = jax.random.normal(k2, (total, OUTPUT_DIM), dtype=jnp.float32) * 0.01
    bias = jnp.zeros((OUTPUT_DIM,), dtype=jnp.float32)
    return {"x": x, "fc_weight": fc_weight, "bias": bias}


def reference(x, fc_weight, bias):
    # offsets: cumulative starts of each field in the concatenated table
    offsets = jnp.asarray(np.array((0, *np.cumsum(FIELD_DIMS)[:-1]), dtype=np.int32))
    idx = x + offsets[None, :]                     # [B, F]
    emb = jnp.take(fc_weight, idx, axis=0)         # [B, F, output_dim] (gather)
    return jnp.sum(emb, axis=1) + bias             # [B, output_dim]

if __name__ == "__main__":
    import jax
    _d = setup_inputs()
    print(jax.jit(kernel)(*tuple(_d.values())))

</pallas_src>

<mosaic_0001>
#map = affine_map<(d0, d1) -> (0, 0)>
#map1 = affine_map<(d0, d1) -> (0)>
module attributes {stable_mosaic.version = 14 : i64} {
  func.func @_sc_body(%arg0: i32, %arg1: i32, %arg2: memref<26x16384xi32, #tpu.memory_space<hbm>>, %arg3: memref<2600000xf32, #tpu.memory_space<hbm>>, %arg4: memref<16xf32, #tpu.memory_space<hbm>>, %arg5: memref<16384xf32, #tpu.memory_space<hbm>>, %arg6: memref<6656xi32, #tpu.memory_space<vmem>>, %arg7: memref<6656xi32, #tpu.memory_space<vmem>>, %arg8: memref<6656xf32, #tpu.memory_space<vmem>>, %arg9: memref<6656xf32, #tpu.memory_space<vmem>>, %arg10: memref<512xf32, #tpu.memory_space<vmem>>, %arg11: memref<16xf32, #tpu.memory_space<vmem>>, %arg12: memref<!tpu.dma_semaphore, #tpu.memory_space<semaphore_mem>>, %arg13: memref<!tpu.dma_semaphore, #tpu.memory_space<semaphore_mem>>, %arg14: memref<!tpu.dma_semaphore, #tpu.memory_space<semaphore_mem>>, %arg15: memref<!tpu.dma_semaphore, #tpu.memory_space<semaphore_mem>>) attributes {dimension_semantics = [#tpu.dimension_semantics<core_parallel>, #tpu.dimension_semantics<subcore_parallel>], iteration_bounds = array<i64: 2, 16>, scalar_prefetch = 0 : i64, scratch_operands = 10 : i64, tpu.core_type = #tpu.core_type<sc_vector_subcore>, window_params = [{transform_indices = #map}, {transform_indices = #map1}, {transform_indices = #map1}, {transform_indices = #map1}]} {
    %mul3A = arith.constant 2 : i32
    %mul3A_0 = arith.muli %arg1, %mul3A : i32
    %add3A = arith.addi %mul3A_0, %arg0 : i32
    %mul3A_1 = arith.constant 512 : i32
    %mul3A_2 = arith.muli %add3A, %mul3A_1 : i32
    %dma_start3A = arith.constant 0 : i32
    %dma_start3A_3 = arith.constant 0 : i32
    %dma_start3A_4 = tpu.memref_slice %arg6[%dma_start3A_3] : memref<6656xi32, #tpu.memory_space<vmem>> -> memref<512xi32, #tpu.memory_space<vmem>>
    %dma_start3A_5 = tpu.memref_slice %arg2[%dma_start3A, %mul3A_2] : memref<26x16384xi32, #tpu.memory_space<hbm>> -> memref<1x512xi32, #tpu.memory_space<hbm>>
    %dma_start3A_6 = tpu.memref_squeeze %dma_start3A_5 : memref<1x512xi32, #tpu.memory_space<hbm>> -> memref<512xi32, #tpu.memory_space<hbm>>
    %dma_start3A_7 = arith.constant 0 : i32
    %dma_start3A_8 = tpu.memref_slice %arg6[%dma_start3A_7] : memref<6656xi32, #tpu.memory_space<vmem>> -> memref<512xi32, #tpu.memory_space<vmem>>
    %dma_start3A_9 = tpu.memref_slice %arg2[%dma_start3A, %mul3A_2] : memref<26x16384xi32, #tpu.memory_space<hbm>> -> memref<1x512xi32, #tpu.memory_space<hbm>>
    %dma_start3A_10 = tpu.memref_squeeze %dma_start3A_9 : memref<1x512xi32, #tpu.memory_space<hbm>> -> memref<512xi32, #tpu.memory_space<hbm>>
    tpu.enqueue_dma source(%dma_start3A_10 : memref<512xi32, #tpu.memory_space<hbm>>) target(%dma_start3A_8 : memref<512xi32, #tpu.memory_space<vmem>>) target_semaphore(%arg12 : memref<!tpu.dma_semaphore, #tpu.memory_space<semaphore_mem>>)
    %dma_start3A_11 = arith.constant 1 : i32
    %dma_start3A_12 = arith.constant 512 : i32
    %dma_start3A_13 = tpu.memref_slice %arg6[%dma_start3A_12] : memref<6656xi32, #tpu.memory_space<vmem>> -> memref<512xi32, #tpu.memory_space<vmem>>
    %dma_start3A_14 = tpu.memref_slice %arg2[%dma_start3A_11, %mul3A_2] : memref<26x16384xi32, #tpu.memory_space<hbm>> -> memref<1x512xi32, #tpu.memory_space<hbm>>
    %dma_start3A_15 = tpu.memref_squeeze %dma_start3A_14 : memref<1x512xi32, #tpu.memory_space<hbm>> -> memref<512xi32, #tpu.memory_space<hbm>>
    %dma_start3A_16 = arith.constant 512 : i32
    %dma_start3A_17 = tpu.memref_slice %arg6[%dma_start3A_16] : memref<6656xi32, #tpu.memory_space<vmem>> -> memref<512xi32, #tpu.memory_space<vmem>>
    %dma_start3A_18 = tpu.memref_slice %arg2[%dma_start3A_11, %mul3A_2] : memref<26x16384xi32, #tpu.memory_space<hbm>> -> memref<1x512xi32, #tpu.memory_space<hbm>>
    %dma_start3A_19 = tpu.memref_squeeze %dma_start3A_18 : memref<1x512xi32, #tpu.memory_space<hbm>> -> memref<512xi32, #tpu.memory_space<hbm>>
    tpu.enqueue_dma source(%dma_start3A_19 : memref<512xi32, #tpu.memory_space<hbm>>) target(%dma_start3A_17 : memref<512xi32, #tpu.memory_space<vmem>>) target_semaphore(%arg12 : memref<!tpu.dma_semaphore, #tpu.memory_space<semaphore_mem>>)
    %dma_start3A_20 = arith.constant 2 : i32
    %dma_start3A_21 = arith.constant 1024 : i32
    %dma_start3A_22 = tpu.memref_slice %arg6[%dma_start3A_21] : memref<6656xi32, #tpu.memory_space<vmem>> -> memref<512xi32, #tpu.memory_space<vmem>>
    %dma_start3A_23 = tpu.memref_slice %arg2[%dma_start3A_20, %mul3A_2] : memref<26x16384xi32, #tpu.memory_space<hbm>> -> memref<1x512xi32, #tpu.memory_space<hbm>>
    %dma_start3A_24 = tpu.memref_squeeze %dma_start3A_23 : memref<1x512xi32, #tpu.memory_space<hbm>> -> memref<512xi32, #tpu.memory_space<hbm>>
    %dma_start3A_25 = arith.constant 1024 : i32
    %dma_start3A_26 = tpu.memref_slice %arg6[%dma_start3A_25] : memref<6656xi32, #tpu.memory_space<vmem>> -> memref<512xi32, #tpu.memory_space<vmem>>
    %dma_start3A_27 = tpu.memref_slice %arg2[%dma_start3A_20, %mul3A_2] : memref<26x16384xi32, #tpu.memory_space<hbm>> -> memref<1x512xi32, #tpu.memory_space<hbm>>
    %dma_start3A_28 = tpu.memref_squeeze %dma_start3A_27 : memref<1x512xi32, #tpu.memory_space<hbm>> -> memref<512xi32, #tpu.memory_space<hbm>>
    tpu.enqueue_dma source(%dma_start3A_28 : memref<512xi32, #tpu.memory_space<hbm>>) target(%dma_start3A_26 : memref<512xi32, #tpu.memory_space<vmem>>) target_semaphore(%arg12 : memref<!tpu.dma_semaphore, #tpu.memory_space<semaphore_mem>>)
    %dma_start3A_29 = arith.constant 3 : i32
    %dma_start3A_30 = arith.constant 1536 : i32
    %dma_start3A_31 = tpu.memref_slice %arg6[%dma_start3A_30] : memref<6656xi32, #tpu.memory_space<vmem>> -> memref<512xi32, #tpu.memory_space<vmem>>
    %dma_start3A_32 = tpu.memref_slice %arg2[%dma_start3A_29, %mul3A_2] : memref<26x16384xi32, #tpu.memory_space<hbm>> -> memref<1x512xi32, #tpu.memory_space<hbm>>
    %dma_start3A_33 = tpu.memref_squeeze %dma_start3A_32 : memref<1x512xi32, #tpu.memory_space<hbm>> -> memref<512xi32, #tpu.memory_space<hbm>>
    %dma_start3A_34 = arith.constant 1536 : i32
    %dma_start3A_35 = tpu.memref_slice %arg6[%dma_start3A_34] : memref<6656xi32, #tpu.memory_space<vmem>> -> memref<512xi32, #tpu.memory_space<vmem>>
    %dma_start3A_36 = tpu.memref_slice %arg2[%dma_start3A_29, %mul3A_2] : memref<26x16384xi32, #tpu.memory_space<hbm>> -> memref<1x512xi32, #tpu.memory_space<hbm>>
    %dma_start3A_37 = tpu.memref_squeeze %dma_start3A_36 : memref<1x512xi32, #tpu.memory_space<hbm>> -> memref<512xi32, #tpu.memory_space<hbm>>
    tpu.enqueue_dma source(%dma_start3A_37 : memref<512xi32, #tpu.memory_space<hbm>>) target(%dma_start3A_35 : memref<512xi32, #tpu.memory_space<vmem>>) target_semaphore(%arg12 : memref<!tpu.dma_semaphore, #tpu.memory_space<semaphore_mem>>)
    %dma_start3A_38 = arith.constant 4 : i32
    %dma_start3A_39 = arith.constant 2048 : i32
    %dma_start3A_40 = tpu.memref_slice %arg6[%dma_start3A_39] : memref<6656xi32, #tpu.memory_space<vmem>> -> memref<512xi32, #tpu.memory_space<vmem>>
    %dma_start3A_41 = tpu.memref_slice %arg2[%dma_start3A_38, %mul3A_2] : memref<26x16384xi32, #tpu.memory_space<hbm>> -> memref<1x512xi32, #tpu.memory_space<hbm>>
    %dma_start3A_42 = tpu.memref_squeeze %dma_start3A_41 : memref<1x512xi32, #tpu.memory_space<hbm>> -> memref<512xi32, #tpu.memory_space<hbm>>
    %dma_start3A_43 = arith.constant 2048 : i32
    %dma_start3A_44 = tpu.memref_slice %arg6[%dma_start3A_43] : memref<6656xi32, #tpu.memory_space<vmem>> -> memref<512xi32, #tpu.memory_space<vmem>>
    %dma_start3A_45 = tpu.memref_slice %arg2[%dma_start3A_38, %mul3A_2] : memref<26x16384xi32, #tpu.memory_space<hbm>> -> memref<1x512xi32, #tpu.memory_space<hbm>>
    %dma_start3A_46 = tpu.memref_squeeze %dma_start3A_45 : memref<1x512xi32, #tpu.memory_space<hbm>> -> memref<512xi32, #tpu.memory_space<hbm>>
    tpu.enqueue_dma source(%dma_start3A_46 : memref<512xi32, #tpu.memory_space<hbm>>) target(%dma_start3A_44 : memref<512xi32, #tpu.memory_space<vmem>>) target_semaphore(%arg12 : memref<!tpu.dma_semaphore, #tpu.memory_space<semaphore_mem>>)
    %dma_start3A_47 = arith.constant 5 : i32
    %dma_start3A_48 = arith.constant 2560 : i32
    %dma_start3A_49 = tpu.memref_slice %arg6[%dma_start3A_48] : memref<6656xi32, #tpu.memory_space<vmem>> -> memref<512xi32, #tpu.memory_space<vmem>>
    %dma_start3A_50 = tpu.memref_slice %arg2[%dma_start3A_47, %mul3A_2] : memref<26x16384xi32, #tpu.memory_space<hbm>> -> memref<1x512xi32, #tpu.memory_space<hbm>>
    %dma_start3A_51 = tpu.memref_squeeze %dma_start3A_50 : memref<1x512xi32, #tpu.memory_space<hbm>> -> memref<512xi32, #tpu.memory_space<hbm>>
    %dma_start3A_52 = arith.constant 2560 : i32
    %dma_start3A_53 = tpu.memref_slice %arg6[%dma_start3A_52] : memref<6656xi32, #tpu.memory_space<vmem>> -> memref<512xi32, #tpu.memory_space<vmem>>
    %dma_start3A_54 = tpu.memref_slice %arg2[%dma_start3A_47, %mul3A_2] : memref<26x16384xi32, #tpu.memory_space<hbm>> -> memref<1x512xi32, #tpu.memory_space<hbm>>
    %dma_start3A_55 = tpu.memref_squeeze %dma_start3A_54 : memref<1x512xi32, #tpu.memory_space<hbm>> -> memref<512xi32, #tpu.memory_space<hbm>>
    tpu.enqueue_dma source(%dma_start3A_55 : memref<512xi32, #tpu.memory_space<hbm>>) target(%dma_start3A_53 : memref<512xi32, #tpu.memory_space<vmem>>) target_semaphore(%arg12 : memref<!tpu.dma_semaphore, #tpu.memory_space<semaphore_mem>>)
    %dma_start3A_56 = arith.constant 6 : i32
    %dma_start3A_57 = arith.constant 3072 : i32
    %dma_start3A_58 = tpu.memref_slice %arg6[%dma_start3A_57] : memref<6656xi32, #tpu.memory_space<vmem>> -> memref<512xi32, #tpu.memory_space<vmem>>
    %dma_start3A_59 = tpu.memref_slice %arg2[%dma_start3A_56, %mul3A_2] : memref<26x16384xi32, #tpu.memory_space<hbm>> -> memref<1x512xi32, #tpu.memory_space<hbm>>
    %dma_start3A_60 = tpu.memref_squeeze %dma_start3A_59 : memref<1x512xi32, #tpu.memory_space<hbm>> -> memref<512xi32, #tpu.memory_space<hbm>>
    %dma_start3A_61 = arith.constant 3072 : i32
    %dma_start3A_62 = tpu.memref_slice %arg6[%dma_start3A_61] : memref<6656xi32, #tpu.memory_space<vmem>> -> memref<512xi32, #tpu.memory_space<vmem>>
    %dma_start3A_63 = tpu.memref_slice %arg2[%dma_start3A_56, %mul3A_2] : memref<26x16384xi32, #tpu.memory_space<hbm>> -> memref<1x512xi32, #tpu.memory_space<hbm>>
    %dma_start3A_64 = tpu.memref_squeeze %dma_start3A_63 : memref<1x512xi32, #tpu.memory_space<hbm>> -> memref<512xi32, #tpu.memory_space<hbm>>
    tpu.enqueue_dma source(%dma_start3A_64 : memref<512xi32, #tpu.memory_space<hbm>>) target(%dma_start3A_62 : memref<512xi32, #tpu.memory_space<vmem>>) target_semaphore(%arg12 : memref<!tpu.dma_semaphore, #tpu.memory_space<semaphore_mem>>)
    %dma_start3A_65 = arith.constant 7 : i32
    %dma_start3A_66 = arith.constant 3584 : i32
    %dma_start3A_67 = tpu.memref_slice %arg6[%dma_start3A_66] : memref<6656xi32, #tpu.memory_space<vmem>> -> memref<512xi32, #tpu.memory_space<vmem>>
    %dma_start3A_68 = tpu.memref_slice %arg2[%dma_start3A_65, %mul3A_2] : memref<26x16384xi32, #tpu.memory_space<hbm>> -> memref<1x512xi32, #tpu.memory_space<hbm>>
    %dma_start3A_69 = tpu.memref_squeeze %dma_start3A_68 : memref<1x512xi32, #tpu.memory_space<hbm>> -> memref<512xi32, #tpu.memory_space<hbm>>
    %dma_start3A_70 = arith.constant 3584 : i32
    %dma_start3A_71 = tpu.memref_slice %arg6[%dma_start3A_70] : memref<6656xi32, #tpu.memory_space<vmem>> -> memref<512xi32, #tpu.memory_space<vmem>>
    %dma_start3A_72 = tpu.memref_slice %arg2[%dma_start3A_65, %mul3A_2] : memref<26x16384xi32, #tpu.memory_space<hbm>> -> memref<1x512xi32, #tpu.memory_space<hbm>>
    %dma_start3A_73 = tpu.memref_squeeze %dma_start3A_72 : memref<1x512xi32, #tpu.memory_space<hbm>> -> memref<512xi32, #tpu.memory_space<hbm>>
    tpu.enqueue_dma source(%dma_start3A_73 : memref<512xi32, #tpu.memory_space<hbm>>) target(%dma_start3A_71 : memref<512xi32, #tpu.memory_space<vmem>>) target_semaphore(%arg12 : memref<!tpu.dma_semaphore, #tpu.memory_space<semaphore_mem>>)
    %dma_start3A_74 = arith.constant 8 : i32
    %dma_start3A_75 = arith.constant 4096 : i32
    %dma_start3A_76 = tpu.memref_slice %arg6[%dma_start3A_75] : memref<6656xi32, #tpu.memory_space<vmem>> -> memref<512xi32, #tpu.memory_space<vmem>>
    %dma_start3A_77 = tpu.memref_slice %arg2[%dma_start3A_74, %mul3A_2] : memref<26x16384xi32, #tpu.memory_space<hbm>> -> memref<1x512xi32, #tpu.memory_space<hbm>>
    %dma_start3A_78 = tpu.memref_squeeze %dma_start3A_77 : memref<1x512xi32, #tpu.memory_space<hbm>> -> memref<512xi32, #tpu.memory_space<hbm>>
    %dma_start3A_79 = arith.constant 4096 : i32
    %dma_start3A_80 = tpu.memref_slice %arg6[%dma_start3A_79] : memref<6656xi32, #tpu.memory_space<vmem>> -> memref<512xi32, #tpu.memory_space<vmem>>
    %dma_start3A_81 = tpu.memref_slice %arg2[%dma_start3A_74, %mul3A_2] : memref<26x16384xi32, #tpu.memory_space<hbm>> -> memref<1x512xi32, #tpu.memory_space<hbm>>
    %dma_start3A_82 = tpu.memref_squeeze %dma_start3A_81 : memref<1x512xi32, #tpu.memory_space<hbm>> -> memref<512xi32, #tpu.memory_space<hbm>>
    tpu.enqueue_dma source(%dma_start3A_82 : memref<512xi32, #tpu.memory_space<hbm>>) target(%dma_start3A_80 : memref<512xi32, #tpu.memory_space<vmem>>) target_semaphore(%arg12 : memref<!tpu.dma_semaphore, #tpu.memory_space<semaphore_mem>>)
    %dma_start3A_83 = arith.constant 9 : i32
    %dma_start3A_84 = arith.constant 4608 : i32
    %dma_start3A_85 = tpu.memref_slice %arg6[%dma_start3A_84] : memref<6656xi32, #tpu.memory_space<vmem>> -> memref<512xi32, #tpu.memory_space<vmem>>
    %dma_start3A_86 = tpu.memref_slice %arg2[%dma_start3A_83, %mul3A_2] : memref<26x16384xi32, #tpu.memory_space<hbm>> -> memref<1x512xi32, #tpu.memory_space<hbm>>
    %dma_start3A_87 = tpu.memref_squeeze %dma_start3A_86 : memref<1x512xi32, #tpu.memory_space<hbm>> -> memref<512xi32, #tpu.memory_space<hbm>>
    %dma_start3A_88 = arith.constant 4608 : i32
    %dma_start3A_89 = tpu.memref_slice %arg6[%dma_start3A_88] : memref<6656xi32, #tpu.memory_space<vmem>> -> memref<512xi32, #tpu.memory_space<vmem>>
    %dma_start3A_90 = tpu.memref_slice %arg2[%dma_start3A_83, %mul3A_2] : memref<26x16384xi32, #tpu.memory_space<hbm>> -> memref<1x512xi32, #tpu.memory_space<hbm>>
    %dma_start3A_91 = tpu.memref_squeeze %dma_start3A_90 : memref<1x512xi32, #tpu.memory_space<hbm>> -> memref<512xi32, #tpu.memory_space<hbm>>
    tpu.enqueue_dma source(%dma_start3A_91 : memref<512xi32, #tpu.memory_space<hbm>>) target(%dma_start3A_89 : memref<512xi32, #tpu.memory_space<vmem>>) target_semaphore(%arg12 : memref<!tpu.dma_semaphore, #tpu.memory_space<semaphore_mem>>)
    %dma_start3A_92 = arith.constant 10 : i32
    %dma_start3A_93 = arith.constant 5120 : i32
    %dma_start3A_94 = tpu.memref_slice %arg6[%dma_start3A_93] : memref<6656xi32, #tpu.memory_space<vmem>> -> memref<512xi32, #tpu.memory_space<vmem>>
    %dma_start3A_95 = tpu.memref_slice %arg2[%dma_start3A_92, %mul3A_2] : memref<26x16384xi32, #tpu.memory_space<hbm>> -> memref<1x512xi32, #tpu.memory_space<hbm>>
    %dma_start3A_96 = tpu.memref_squeeze %dma_start3A_95 : memref<1x512xi32, #tpu.memory_space<hbm>> -> memref<512xi32, #tpu.memory_space<hbm>>
    %dma_start3A_97 = arith.constant 5120 : i32
    %dma_start3A_98 = tpu.memref_slice %arg6[%dma_start3A_97] : memref<6656xi32, #tpu.memory_space<vmem>> -> memref<512xi32, #tpu.memory_space<vmem>>
    %dma_start3A_99 = tpu.memref_slice %arg2[%dma_start3A_92, %mul3A_2] : memref<26x16384xi32, #tpu.memory_space<hbm>> -> memref<1x512xi32, #tpu.memory_space<hbm>>
    %dma_start3A_100 = tpu.memref_squeeze %dma_start3A_99 : memref<1x512xi32, #tpu.memory_space<hbm>> -> memref<512xi32, #tpu.memory_space<hbm>>
    tpu.enqueue_dma source(%dma_start3A_100 : memref<512xi32, #tpu.memory_space<hbm>>) target(%dma_start3A_98 : memref<512xi32, #tpu.memory_space<vmem>>) target_semaphore(%arg12 : memref<!tpu.dma_semaphore, #tpu.memory_space<semaphore_mem>>)
    %dma_start3A_101 = arith.constant 11 : i32
    %dma_start3A_102 = arith.constant 5632 : i32
    %dma_start3A_103 = tpu.memref_slice %arg6[%dma_start3A_102] : memref<6656xi32, #tpu.memory_space<vmem>> -> memref<512xi32, #tpu.memory_space<vmem>>
    %dma_start3A_104 = tpu.memref_slice %arg2[%dma_start3A_101, %mul3A_2] : memref<26x16384xi32, #tpu.memory_space<hbm>> -> memref<1x512xi32, #tpu.memory_space<hbm>>
    %dma_start3A_105 = tpu.memref_squeeze %dma_start3A_104 : memref<1x512xi32, #tpu.memory_space<hbm>> -> memref<512xi32, #tpu.memory_space<hbm>>
    %dma_start3A_106 = arith.constant 5632 : i32
    %dma_start3A_107 = tpu.memref_slice %arg6[%dma_start3A_106] : memref<6656xi32, #tpu.memory_space<vmem>> -> memref<512xi32, #tpu.memory_space<vmem>>
    %dma_start3A_108 = tpu.memref_slice %arg2[%dma_start3A_101, %mul3A_2] : memref<26x16384xi32, #tpu.memory_space<hbm>> -> memref<1x512xi32, #tpu.memory_space<hbm>>
    %dma_start3A_109 = tpu.memref_squeeze %dma_start3A_108 : memref<1x512xi32, #tpu.memory_space<hbm>> -> memref<512xi32, #tpu.memory_space<hbm>>
    tpu.enqueue_dma source(%dma_start3A_109 : memref<512xi32, #tpu.memory_space<hbm>>) target(%dma_start3A_107 : memref<512xi32, #tpu.memory_space<vmem>>) target_semaphore(%arg12 : memref<!tpu.dma_semaphore, #tpu.memory_space<semaphore_mem>>)
    %dma_start3A_110 = arith.constant 12 : i32
    %dma_start3A_111 = arith.constant 6144 : i32
    %dma_start3A_112 = tpu.memref_slice %arg6[%dma_start3A_111] : memref<6656xi32, #tpu.memory_space<vmem>> -> memref<512xi32, #tpu.memory_space<vmem>>
    %dma_start3A_113 = tpu.memref_slice %arg2[%dma_start3A_110, %mul3A_2] : memref<26x16384xi32, #tpu.memory_space<hbm>> -> memref<1x512xi32, #tpu.memory_space<hbm>>
    %dma_start3A_114 = tpu.memref_squeeze %dma_start3A_113 : memref<1x512xi32, #tpu.memory_space<hbm>> -> memref<512xi32, #tpu.memory_space<hbm>>
    %dma_start3A_115 = arith.constant 6144 : i32
    %dma_start3A_116 = tpu.memref_slice %arg6[%dma_start3A_115] : memref<6656xi32, #tpu.memory_space<vmem>> -> memref<512xi32, #tpu.memory_space<vmem>>
    %dma_start3A_117 = tpu.memref_slice %arg2[%dma_start3A_110, %mul3A_2] : memref<26x16384xi32, #tpu.memory_space<hbm>> -> memref<1x512xi32, #tpu.memory_space<hbm>>
    %dma_start3A_118 = tpu.memref_squeeze %dma_start3A_117 : memref<1x512xi32, #tpu.memory_space<hbm>> -> memref<512xi32, #tpu.memory_space<hbm>>
    tpu.enqueue_dma source(%dma_start3A_118 : memref<512xi32, #tpu.memory_space<hbm>>) target(%dma_start3A_116 : memref<512xi32, #tpu.memory_space<vmem>>) target_semaphore(%arg12 : memref<!tpu.dma_semaphore, #tpu.memory_space<semaphore_mem>>)
    %dma_start3A_119 = arith.constant 13 : i32
    %dma_start3A_120 = arith.constant 0 : i32
    %dma_start3A_121 = tpu.memref_slice %arg7[%dma_start3A_120] : memref<6656xi32, #tpu.memory_space<vmem>> -> memref<512xi32, #tpu.memory_space<vmem>>
    %dma_start3A_122 = tpu.memref_slice %arg2[%dma_start3A_119, %mul3A_2] : memref<26x16384xi32, #tpu.memory_space<hbm>> -> memref<1x512xi32, #tpu.memory_space<hbm>>
    %dma_start3A_123 = tpu.memref_squeeze %dma_start3A_122 : memref<1x512xi32, #tpu.memory_space<hbm>> -> memref<512xi32, #tpu.memory_space<hbm>>
    %dma_start3A_124 = arith.constant 0 : i32
    %dma_start3A_125 = tpu.memref_slice %arg7[%dma_start3A_124] : memref<6656xi32, #tpu.memory_space<vmem>> -> memref<512xi32, #tpu.memory_space<vmem>>
    %dma_start3A_126 = tpu.memref_slice %arg2[%dma_start3A_119, %mul3A_2] : memref<26x16384xi32, #tpu.memory_space<hbm>> -> memref<1x512xi32, #tpu.memory_space<hbm>>
    %dma_start3A_127 = tpu.memref_squeeze %dma_start3A_126 : memref<1x512xi32, #tpu.memory_space<hbm>> -> memref<512xi32, #tpu.memory_space<hbm>>
    tpu.enqueue_dma source(%dma_start3A_127 : memref<512xi32, #tpu.memory_space<hbm>>) target(%dma_start3A_125 : memref<512xi32, #tpu.memory_space<vmem>>) target_semaphore(%arg13 : memref<!tpu.dma_semaphore, #tpu.memory_space<semaphore_mem>>)
    %dma_start3A_128 = arith.constant 14 : i32
    %dma_start3A_129 = arith.constant 512 : i32
    %dma_start3A_130 = tpu.memref_slice %arg7[%dma_start3A_129] : memref<6656xi32, #tpu.memory_space<vmem>> -> memref<512xi32, #tpu.memory_space<vmem>>
    %dma_start3A_131 = tpu.memref_slice %arg2[%dma_start3A_128, %mul3A_2] : memref<26x16384xi32, #tpu.memory_space<hbm>> -> memref<1x512xi32, #tpu.memory_space<hbm>>
    %dma_start3A_132 = tpu.memref_squeeze %dma_start3A_131 : memref<1x512xi32, #tpu.memory_space<hbm>> -> memref<512xi32, #tpu.memory_space<hbm>>
    %dma_start3A_133 = arith.constant 512 : i32
    %dma_start3A_134 = tpu.memref_slice %arg7[%dma_start3A_133] : memref<6656xi32, #tpu.memory_space<vmem>> -> memref<512xi32, #tpu.memory_space<vmem>>
    %dma_start3A_135 = tpu.memref_slice %arg2[%dma_start3A_128, %mul3A_2] : memref<26x16384xi32, #tpu.memory_space<hbm>> -> memref<1x512xi32, #tpu.memory_space<hbm>>
    %dma_start3A_136 = tpu.memref_squeeze %dma_start3A_135 : memref<1x512xi32, #tpu.memory_space<hbm>> -> memref<512xi32, #tpu.memory_space<hbm>>
    tpu.enqueue_dma source(%dma_start3A_136 : memref<512xi32, #tpu.memory_space<hbm>>) target(%dma_start3A_134 : memref<512xi32, #tpu.memory_space<vmem>>) target_semaphore(%arg13 : memref<!tpu.dma_semaphore, #tpu.memory_space<semaphore_mem>>)
    %dma_start3A_137 = arith.constant 15 : i32
    %dma_start3A_138 = arith.constant 1024 : i32
    %dma_start3A_139 = tpu.memref_slice %arg7[%dma_start3A_138] : memref<6656xi32, #tpu.memory_space<vmem>> -> memref<512xi32, #tpu.memory_space<vmem>>
    %dma_start3A_140 = tpu.memref_slice %arg2[%dma_start3A_137, %mul3A_2] : memref<26x16384xi32, #tpu.memory_space<hbm>> -> memref<1x512xi32, #tpu.memory_space<hbm>>
    %dma_start3A_141 = tpu.memref_squeeze %dma_start3A_140 : memref<1x512xi32, #tpu.memory_space<hbm>> -> memref<512xi32, #tpu.memory_space<hbm>>
    %dma_start3A_142 = arith.constant 1024 : i32
    %dma_start3A_143 = tpu.memref_slice %arg7[%dma_start3A_142] : memref<6656xi32, #tpu.memory_space<vmem>> -> memref<512xi32, #tpu.memory_space<vmem>>
    %dma_start3A_144 = tpu.memref_slice %arg2[%dma_start3A_137, %mul3A_2] : memref<26x16384xi32, #tpu.memory_space<hbm>> -> memref<1x512xi32, #tpu.memory_space<hbm>>
    %dma_start3A_145 = tpu.memref_squeeze %dma_start3A_144 : memref<1x512xi32, #tpu.memory_space<hbm>> -> memref<512xi32, #tpu.memory_space<hbm>>
    tpu.enqueue_dma source(%dma_start3A_145 : memref<512xi32, #tpu.memory_space<hbm>>) target(%dma_start3A_143 : memref<512xi32, #tpu.memory_space<vmem>>) target_semaphore(%arg13 : memref<!tpu.dma_semaphore, #tpu.memory_space<semaphore_mem>>)
    %dma_start3A_146 = arith.constant 16 : i32
    %dma_start3A_147 = arith.constant 1536 : i32
    %dma_start3A_148 = tpu.memref_slice %arg7[%dma_start3A_147] : memref<6656xi32, #tpu.memory_space<vmem>> -> memref<512xi32, #tpu.memory_space<vmem>>
    %dma_start3A_149 = tpu.memref_slice %arg2[%dma_start3A_146, %mul3A_2] : memref<26x16384xi32, #tpu.memory_space<hbm>> -> memref<1x512xi32, #tpu.memory_space<hbm>>
    %dma_start3A_150 = tpu.memref_squeeze %dma_start3A_149 : memref<1x512xi32, #tpu.memory_space<hbm>> -> memref<512xi32, #tpu.memory_space<hbm>>
    %dma_start3A_151 = arith.constant 1536 : i32
    %dma_start3A_152 = tpu.memref_slice %arg7[%dma_start3A_151] : memref<6656xi32, #tpu.memory_space<vmem>> -> memref<512xi32, #tpu.memory_space<vmem>>
    %dma_start3A_153 = tpu.memref_slice %arg2[%dma_start3A_146, %mul3A_2] : memref<26x16384xi32, #tpu.memory_space<hbm>> -> memref<1x512xi32, #tpu.memory_space<hbm>>
    %dma_start3A_154 = tpu.memref_squeeze %dma_start3A_153 : memref<1x512xi32, #tpu.memory_space<hbm>> -> memref<512xi32, #tpu.memory_space<hbm>>
    tpu.enqueue_dma source(%dma_start3A_154 : memref<512xi32, #tpu.memory_space<hbm>>) target(%dma_start3A_152 : memref<512xi32, #tpu.memory_space<vmem>>) target_semaphore(%arg13 : memref<!tpu.dma_semaphore, #tpu.memory_space<semaphore_mem>>)
    %dma_start3A_155 = arith.constant 17 : i32
    %dma_start3A_156 = arith.constant 2048 : i32
    %dma_start3A_157 = tpu.memref_slice %arg7[%dma_start3A_156] : memref<6656xi32, #tpu.memory_space<vmem>> -> memref<512xi32, #tpu.memory_space<vmem>>
    %dma_start3A_158 = tpu.memref_slice %arg2[%dma_start3A_155, %mul3A_2] : memref<26x16384xi32, #tpu.memory_space<hbm>> -> memref<1x512xi32, #tpu.memory_space<hbm>>
    %dma_start3A_159 = tpu.memref_squeeze %dma_start3A_158 : memref<1x512xi32, #tpu.memory_space<hbm>> -> memref<512xi32, #tpu.memory_space<hbm>>
    %dma_start3A_160 = arith.constant 2048 : i32
    %dma_start3A_161 = tpu.memref_slice %arg7[%dma_start3A_160] : memref<6656xi32, #tpu.memory_space<vmem>> -> memref<512xi32, #tpu.memory_space<vmem>>
    %dma_start3A_162 = tpu.memref_slice %arg2[%dma_start3A_155, %mul3A_2] : memref<26x16384xi32, #tpu.memory_space<hbm>> -> memref<1x512xi32, #tpu.memory_space<hbm>>
    %dma_start3A_163 = tpu.memref_squeeze %dma_start3A_162 : memref<1x512xi32, #tpu.memory_space<hbm>> -> memref<512xi32, #tpu.memory_space<hbm>>
    tpu.enqueue_dma source(%dma_start3A_163 : memref<512xi32, #tpu.memory_space<hbm>>) target(%dma_start3A_161 : memref<512xi32, #tpu.memory_space<vmem>>) target_semaphore(%arg13 : memref<!tpu.dma_semaphore, #tpu.memory_space<semaphore_mem>>)
    %dma_start3A_164 = arith.constant 18 : i32
    %dma_start3A_165 = arith.constant 2560 : i32
    %dma_start3A_166 = tpu.memref_slice %arg7[%dma_start3A_165] : memref<6656xi32, #tpu.memory_space<vmem>> -> memref<512xi32, #tpu.memory_space<vmem>>
    %dma_start3A_167 = tpu.memref_slice %arg2[%dma_start3A_164, %mul3A_2] : memref<26x16384xi32, #tpu.memory_space<hbm>> -> memref<1x512xi32, #tpu.memory_space<hbm>>
    %dma_start3A_168 = tpu.memref_squeeze %dma_start3A_167 : memref<1x512xi32, #tpu.memory_space<hbm>> -> memref<512xi32, #tpu.memory_space<hbm>>
    %dma_start3A_169 = arith.constant 2560 : i32
    %dma_start3A_170 = tpu.memref_slice %arg7[%dma_start3A_169] : memref<6656xi32, #tpu.memory_space<vmem>> -> memref<512xi32, #tpu.memory_space<vmem>>
    %dma_start3A_171 = tpu.memref_slice %arg2[%dma_start3A_164, %mul3A_2] : memref<26x16384xi32, #tpu.memory_space<hbm>> -> memref<1x512xi32, #tpu.memory_space<hbm>>
    %dma_start3A_172 = tpu.memref_squeeze %dma_start3A_171 : memref<1x512xi32, #tpu.memory_space<hbm>> -> memref<512xi32, #tpu.memory_space<hbm>>
    tpu.enqueue_dma source(%dma_start3A_172 : memref<512xi32, #tpu.memory_space<hbm>>) target(%dma_start3A_170 : memref<512xi32, #tpu.memory_space<vmem>>) target_semaphore(%arg13 : memref<!tpu.dma_semaphore, #tpu.memory_space<semaphore_mem>>)
    %dma_start3A_173 = arith.constant 19 : i32
    %dma_start3A_174 = arith.constant 3072 : i32
    %dma_start3A_175 = tpu.memref_slice %arg7[%dma_start3A_174] : memref<6656xi32, #tpu.memory_space<vmem>> -> memref<512xi32, #tpu.memory_space<vmem>>
    %dma_start3A_176 = tpu.memref_slice %arg2[%dma_start3A_173, %mul3A_2] : memref<26x16384xi32, #tpu.memory_space<hbm>> -> memref<1x512xi32, #tpu.memory_space<hbm>>
    %dma_start3A_177 = tpu.memref_squeeze %dma_start3A_176 : memref<1x512xi32, #tpu.memory_space<hbm>> -> memref<512xi32, #tpu.memory_space<hbm>>
    %dma_start3A_178 = arith.constant 3072 : i32
    %dma_start3A_179 = tpu.memref_slice %arg7[%dma_start3A_178] : memref<6656xi32, #tpu.memory_space<vmem>> -> memref<512xi32, #tpu.memory_space<vmem>>
    %dma_start3A_180 = tpu.memref_slice %arg2[%dma_start3A_173, %mul3A_2] : memref<26x16384xi32, #tpu.memory_space<hbm>> -> memref<1x512xi32, #tpu.memory_space<hbm>>
    %dma_start3A_181 = tpu.memref_squeeze %dma_start3A_180 : memref<1x512xi32, #tpu.memory_space<hbm>> -> memref<512xi32, #tpu.memory_space<hbm>>
    tpu.enqueue_dma source(%dma_start3A_181 : memref<512xi32, #tpu.memory_space<hbm>>) target(%dma_start3A_179 : memref<512xi32, #tpu.memory_space<vmem>>) target_semaphore(%arg13 : memref<!tpu.dma_semaphore, #tpu.memory_space<semaphore_mem>>)
    %dma_start3A_182 = arith.constant 20 : i32
    %dma_start3A_183 = arith.constant 3584 : i32
    %dma_start3A_184 = tpu.memref_slice %arg7[%dma_start3A_183] : memref<6656xi32, #tpu.memory_space<vmem>> -> memref<512xi32, #tpu.memory_space<vmem>>
    %dma_start3A_185 = tpu.memref_slice %arg2[%dma_start3A_182, %mul3A_2] : memref<26x16384xi32, #tpu.memory_space<hbm>> -> memref<1x512xi32, #tpu.memory_space<hbm>>
    %dma_start3A_186 = tpu.memref_squeeze %dma_start3A_185 : memref<1x512xi32, #tpu.memory_space<hbm>> -> memref<512xi32, #tpu.memory_space<hbm>>
    %dma_start3A_187 = arith.constant 3584 : i32
    %dma_start3A_188 = tpu.memref_slice %arg7[%dma_start3A_187] : memref<6656xi32, #tpu.memory_space<vmem>> -> memref<512xi32, #tpu.memory_space<vmem>>
    %dma_start3A_189 = tpu.memref_slice %arg2[%dma_start3A_182, %mul3A_2] : memref<26x16384xi32, #tpu.memory_space<hbm>> -> memref<1x512xi32, #tpu.memory_space<hbm>>
    %dma_start3A_190 = tpu.memref_squeeze %dma_start3A_189 : memref<1x512xi32, #tpu.memory_space<hbm>> -> memref<512xi32, #tpu.memory_space<hbm>>
    tpu.enqueue_dma source(%dma_start3A_190 : memref<512xi32, #tpu.memory_space<hbm>>) target(%dma_start3A_188 : memref<512xi32, #tpu.memory_space<vmem>>) target_semaphore(%arg13 : memref<!tpu.dma_semaphore, #tpu.memory_space<semaphore_mem>>)
    %dma_start3A_191 = arith.constant 21 : i32
    %dma_start3A_192 = arith.constant 4096 : i32
    %dma_start3A_193 = tpu.memref_slice %arg7[%dma_start3A_192] : memref<6656xi32, #tpu.memory_space<vmem>> -> memref<512xi32, #tpu.memory_space<vmem>>
    %dma_start3A_194 = tpu.memref_slice %arg2[%dma_start3A_191, %mul3A_2] : memref<26x16384xi32, #tpu.memory_space<hbm>> -> memref<1x512xi32, #tpu.memory_space<hbm>>
    %dma_start3A_195 = tpu.memref_squeeze %dma_start3A_194 : memref<1x512xi32, #tpu.memory_space<hbm>> -> memref<512xi32, #tpu.memory_space<hbm>>
    %dma_start3A_196 = arith.constant 4096 : i32
    %dma_start3A_197 = tpu.memref_slice %arg7[%dma_start3A_196] : memref<6656xi32, #tpu.memory_space<vmem>> -> memref<512xi32, #tpu.memory_space<vmem>>
    %dma_start3A_198 = tpu.memref_slice %arg2[%dma_start3A_191, %mul3A_2] : memref<26x16384xi32, #tpu.memory_space<hbm>> -> memref<1x512xi32, #tpu.memory_space<hbm>>
    %dma_start3A_199 = tpu.memref_squeeze %dma_start3A_198 : memref<1x512xi32, #tpu.memory_space<hbm>> -> memref<512xi32, #tpu.memory_space<hbm>>
    tpu.enqueue_dma source(%dma_start3A_199 : memref<512xi32, #tpu.memory_space<hbm>>) target(%dma_start3A_197 : memref<512xi32, #tpu.memory_space<vmem>>) target_semaphore(%arg13 : memref<!tpu.dma_semaphore, #tpu.memory_space<semaphore_mem>>)
    %dma_start3A_200 = arith.constant 22 : i32
    %dma_start3A_201 = arith.constant 4608 : i32
    %dma_start3A_202 = tpu.memref_slice %arg7[%dma_start3A_201] : memref<6656xi32, #tpu.memory_space<vmem>> -> memref<512xi32, #tpu.memory_space<vmem>>
    %dma_start3A_203 = tpu.memref_slice %arg2[%dma_start3A_200, %mul3A_2] : memref<26x16384xi32, #tpu.memory_space<hbm>> -> memref<1x512xi32, #tpu.memory_space<hbm>>
    %dma_start3A_204 = tpu.memref_squeeze %dma_start3A_203 : memref<1x512xi32, #tpu.memory_space<hbm>> -> memref<512xi32, #tpu.memory_space<hbm>>
    %dma_start3A_205 = arith.constant 4608 : i32
    %dma_start3A_206 = tpu.memref_slice %arg7[%dma_start3A_205] : memref<6656xi32, #tpu.memory_space<vmem>> -> memref<512xi32, #tpu.memory_space<vmem>>
    %dma_start3A_207 = tpu.memref_slice %arg2[%dma_start3A_200, %mul3A_2] : memref<26x16384xi32, #tpu.memory_space<hbm>> -> memref<1x512xi32, #tpu.memory_space<hbm>>
    %dma_start3A_208 = tpu.memref_squeeze %dma_start3A_207 : memref<1x512xi32, #tpu.memory_space<hbm>> -> memref<512xi32, #tpu.memory_space<hbm>>
    tpu.enqueue_dma source(%dma_start3A_208 : memref<512xi32, #tpu.memory_space<hbm>>) target(%dma_start3A_206 : memref<512xi32, #tpu.memory_space<vmem>>) target_semaphore(%arg13 : memref<!tpu.dma_semaphore, #tpu.memory_space<semaphore_mem>>)
    %dma_start3A_209 = arith.constant 23 : i32
    %dma_start3A_210 = arith.constant 5120 : i32
    %dma_start3A_211 = tpu.memref_slice %arg7[%dma_start3A_210] : memref<6656xi32, #tpu.memory_space<vmem>> -> memref<512xi32, #tpu.memory_space<vmem>>
    %dma_start3A_212 = tpu.memref_slice %arg2[%dma_start3A_209, %mul3A_2] : memref<26x16384xi32, #tpu.memory_space<hbm>> -> memref<1x512xi32, #tpu.memory_space<hbm>>
    %dma_start3A_213 = tpu.memref_squeeze %dma_start3A_212 : memref<1x512xi32, #tpu.memory_space<hbm>> -> memref<512xi32, #tpu.memory_space<hbm>>
    %dma_start3A_214 = arith.constant 5120 : i32
    %dma_start3A_215 = tpu.memref_slice %arg7[%dma_start3A_214] : memref<6656xi32, #tpu.memory_space<vmem>> -> memref<512xi32, #tpu.memory_space<vmem>>
    %dma_start3A_216 = tpu.memref_slice %arg2[%dma_start3A_209, %mul3A_2] : memref<26x16384xi32, #tpu.memory_space<hbm>> -> memref<1x512xi32, #tpu.memory_space<hbm>>
    %dma_start3A_217 = tpu.memref_squeeze %dma_start3A_216 : memref<1x512xi32, #tpu.memory_space<hbm>> -> memref<512xi32, #tpu.memory_space<hbm>>
    tpu.enqueue_dma source(%dma_start3A_217 : memref<512xi32, #tpu.memory_space<hbm>>) target(%dma_start3A_215 : memref<512xi32, #tpu.memory_space<vmem>>) target_semaphore(%arg13 : memref<!tpu.dma_semaphore, #tpu.memory_space<semaphore_mem>>)
    %dma_start3A_218 = arith.constant 24 : i32
    %dma_start3A_219 = arith.constant 5632 : i32
    %dma_start3A_220 = tpu.memref_slice %arg7[%dma_start3A_219] : memref<6656xi32, #tpu.memory_space<vmem>> -> memref<512xi32, #tpu.memory_space<vmem>>
    %dma_start3A_221 = tpu.memref_slice %arg2[%dma_start3A_218, %mul3A_2] : memref<26x16384xi32, #tpu.memory_space<hbm>> -> memref<1x512xi32, #tpu.memory_space<hbm>>
    %dma_start3A_222 = tpu.memref_squeeze %dma_start3A_221 : memref<1x512xi32, #tpu.memory_space<hbm>> -> memref<512xi32, #tpu.memory_space<hbm>>
    %dma_start3A_223 = arith.constant 5632 : i32
    %dma_start3A_224 = tpu.memref_slice %arg7[%dma_start3A_223] : memref<6656xi32, #tpu.memory_space<vmem>> -> memref<512xi32, #tpu.memory_space<vmem>>
    %dma_start3A_225 = tpu.memref_slice %arg2[%dma_start3A_218, %mul3A_2] : memref<26x16384xi32, #tpu.memory_space<hbm>> -> memref<1x512xi32, #tpu.memory_space<hbm>>
    %dma_start3A_226 = tpu.memref_squeeze %dma_start3A_225 : memref<1x512xi32, #tpu.memory_space<hbm>> -> memref<512xi32, #tpu.memory_space<hbm>>
    tpu.enqueue_dma source(%dma_start3A_226 : memref<512xi32, #tpu.memory_space<hbm>>) target(%dma_start3A_224 : memref<512xi32, #tpu.memory_space<vmem>>) target_semaphore(%arg13 : memref<!tpu.dma_semaphore, #tpu.memory_space<semaphore_mem>>)
    %dma_start3A_227 = arith.constant 25 : i32
    %dma_start3A_228 = arith.constant 6144 : i32
    %dma_start3A_229 = tpu.memref_slice %arg7[%dma_start3A_228] : memref<6656xi32, #tpu.memory_space<vmem>> -> memref<512xi32, #tpu.memory_space<vmem>>
    %dma_start3A_230 = tpu.memref_slice %arg2[%dma_start3A_227, %mul3A_2] : memref<26x16384xi32, #tpu.memory_space<hbm>> -> memref<1x512xi32, #tpu.memory_space<hbm>>
    %dma_start3A_231 = tpu.memref_squeeze %dma_start3A_230 : memref<1x512xi32, #tpu.memory_space<hbm>> -> memref<512xi32, #tpu.memory_space<hbm>>
    %dma_start3A_232 = arith.constant 6144 : i32
    %dma_start3A_233 = tpu.memref_slice %arg7[%dma_start3A_232] : memref<6656xi32, #tpu.memory_space<vmem>> -> memref<512xi32, #tpu.memory_space<vmem>>
    %dma_start3A_234 = tpu.memref_slice %arg2[%dma_start3A_227, %mul3A_2] : memref<26x16384xi32, #tpu.memory_space<hbm>> -> memref<1x512xi32, #tpu.memory_space<hbm>>
    %dma_start3A_235 = tpu.memref_squeeze %dma_start3A_234 : memref<1x512xi32, #tpu.memory_space<hbm>> -> memref<512xi32, #tpu.memory_space<hbm>>
    tpu.enqueue_dma source(%dma_start3A_235 : memref<512xi32, #tpu.memory_space<hbm>>) target(%dma_start3A_233 : memref<512xi32, #tpu.memory_space<vmem>>) target_semaphore(%arg13 : memref<!tpu.dma_semaphore, #tpu.memory_space<semaphore_mem>>)
    "tpu.region"() ({
      %run_scoped3A = tpu.sem_alloc : memref<!tpu.dma_semaphore, #tpu.memory_space<semaphore_mem>>
      tpu.enqueue_dma source(%arg4 : memref<16xf32, #tpu.memory_space<hbm>>) target(%arg11 : memref<16xf32, #tpu.memory_space<vmem>>) target_semaphore(%run_scoped3A : memref<!tpu.dma_semaphore, #tpu.memory_space<semaphore_mem>>)
      tpu.wait_dma2 semaphore(%run_scoped3A : memref<!tpu.dma_semaphore, #tpu.memory_space<semaphore_mem>>) src(%arg4 : memref<16xf32, #tpu.memory_space<hbm>>) dst(%arg11 : memref<16xf32, #tpu.memory_space<vmem>>)
      tpu.yield
    }) : () -> ()
    %dma_wait3A = arith.constant 0 : i32
    %dma_wait3A_236 = arith.constant 0 : i32
    %dma_wait3A_237 = tpu.memref_slice %arg6[%dma_wait3A_236] : memref<6656xi32, #tpu.memory_space<vmem>> -> memref<512xi32, #tpu.memory_space<vmem>>
    %dma_wait3A_238 = tpu.memref_slice %arg2[%dma_wait3A, %mul3A_2] : memref<26x16384xi32, #tpu.memory_space<hbm>> -> memref<1x512xi32, #tpu.memory_space<hbm>>
    %dma_wait3A_239 = tpu.memref_squeeze %dma_wait3A_238 : memref<1x512xi32, #tpu.memory_space<hbm>> -> memref<512xi32, #tpu.memory_space<hbm>>
    %dma_wait3A_240 = arith.constant 0 : i32
    %dma_wait3A_241 = tpu.memref_slice %arg6[%dma_wait3A_240] : memref<6656xi32, #tpu.memory_space<vmem>> -> memref<512xi32, #tpu.memory_space<vmem>>
    %dma_wait3A_242 = tpu.memref_slice %arg2[%dma_wait3A, %mul3A_2] : memref<26x16384xi32, #tpu.memory_space<hbm>> -> memref<1x512xi32, #tpu.memory_space<hbm>>
    %dma_wait3A_243 = tpu.memref_squeeze %dma_wait3A_242 : memref<1x512xi32, #tpu.memory_space<hbm>> -> memref<512xi32, #tpu.memory_space<hbm>>
    tpu.wait_dma2 semaphore(%arg12 : memref<!tpu.dma_semaphore, #tpu.memory_space<semaphore_mem>>) src(%dma_wait3A_243 : memref<512xi32, #tpu.memory_space<hbm>>) dst(%dma_wait3A_241 : memref<512xi32, #tpu.memory_space<vmem>>)
    %dma_wait3A_244 = arith.constant 1 : i32
    %dma_wait3A_245 = arith.constant 512 : i32
    %dma_wait3A_246 = tpu.memref_slice %arg6[%dma_wait3A_245] : memref<6656xi32, #tpu.memory_space<vmem>> -> memref<512xi32, #tpu.memory_space<vmem>>
    %dma_wait3A_247 = tpu.memref_slice %arg2[%dma_wait3A_244, %mul3A_2] : memref<26x16384xi32, #tpu.memory_space<hbm>> -> memref<1x512xi32, #tpu.memory_space<hbm>>
    %dma_wait3A_248 = tpu.memref_squeeze %dma_wait3A_247 : memref<1x512xi32, #tpu.memory_space<hbm>> -> memref<512xi32, #tpu.memory_space<hbm>>
    %dma_wait3A_249 = arith.constant 512 : i32
    %dma_wait3A_250 = tpu.memref_slice %arg6[%dma_wait3A_249] : memref<6656xi32, #tpu.memory_space<vmem>> -> memref<512xi32, #tpu.memory_space<vmem>>
    %dma_wait3A_251 = tpu.memref_slice %arg2[%dma_wait3A_244, %mul3A_2] : memref<26x16384xi32, #tpu.memory_space<hbm>> -> memref<1x512xi32, #tpu.memory_space<hbm>>
    %dma_wait3A_252 = tpu.memref_squeeze %dma_wait3A_251 : memref<1x512xi32, #tpu.memory_space<hbm>> -> memref<512xi32, #tpu.memory_space<hbm>>
    tpu.wait_dma2 semaphore(%arg12 : memref<!tpu.dma_semaphore, #tpu.memory_space<semaphore_mem>>) src(%dma_wait3A_252 : memref<512xi32, #tpu.memory_space<hbm>>) dst(%dma_wait3A_250 : memref<512xi32, #tpu.memory_space<vmem>>)
    %dma_wait3A_253 = arith.constant 2 : i32
    %dma_wait3A_254 = arith.constant 1024 : i32
    %dma_wait3A_255 = tpu.memref_slice %arg6[%dma_wait3A_254] : memref<6656xi32, #tpu.memory_space<vmem>> -> memref<512xi32, #tpu.memory_space<vmem>>
    %dma_wait3A_256 = tpu.memref_slice %arg2[%dma_wait3A_253, %mul3A_2] : memref<26x16384xi32, #tpu.memory_space<hbm>> -> memref<1x512xi32, #tpu.memory_space<hbm>>
    %dma_wait3A_257 = tpu.memref_squeeze %dma_wait3A_256 : memref<1x512xi32, #tpu.memory_space<hbm>> -> memref<512xi32, #tpu.memory_space<hbm>>
    %dma_wait3A_258 = arith.constant 1024 : i32
    %dma_wait3A_259 = tpu.memref_slice %arg6[%dma_wait3A_258] : memref<6656xi32, #tpu.memory_space<vmem>> -> memref<512xi32, #tpu.memory_space<vmem>>
    %dma_wait3A_260 = tpu.memref_slice %arg2[%dma_wait3A_253, %mul3A_2] : memref<26x16384xi32, #tpu.memory_space<hbm>> -> memref<1x512xi32, #tpu.memory_space<hbm>>
    %dma_wait3A_261 = tpu.memref_squeeze %dma_wait3A_260 : memref<1x512xi32, #tpu.memory_space<hbm>> -> memref<512xi32, #tpu.memory_space<hbm>>
    tpu.wait_dma2 semaphore(%arg12 : memref<!tpu.dma_semaphore, #tpu.memory_space<semaphore_mem>>) src(%dma_wait3A_261 : memref<512xi32, #tpu.memory_space<hbm>>) dst(%dma_wait3A_259 : memref<512xi32, #tpu.memory_space<vmem>>)
    %dma_wait3A_262 = arith.constant 3 : i32
    %dma_wait3A_263 = arith.constant 1536 : i32
    %dma_wait3A_264 = tpu.memref_slice %arg6[%dma_wait3A_263] : memref<6656xi32, #tpu.memory_space<vmem>> -> memref<512xi32, #tpu.memory_space<vmem>>
    %dma_wait3A_265 = tpu.memref_slice %arg2[%dma_wait3A_262, %mul3A_2] : memref<26x16384xi32, #tpu.memory_space<hbm>> -> memref<1x512xi32, #tpu.memory_space<hbm>>
    %dma_wait3A_266 = tpu.memref_squeeze %dma_wait3A_265 : memref<1x512xi32, #tpu.memory_space<hbm>> -> memref<512xi32, #tpu.memory_space<hbm>>
    %dma_wait3A_267 = arith.constant 1536 : i32
    %dma_wait3A_268 = tpu.memref_slice %arg6[%dma_wait3A_267] : memref<6656xi32, #tpu.memory_space<vmem>> -> memref<512xi32, #tpu.memory_space<vmem>>
    %dma_wait3A_269 = tpu.memref_slice %arg2[%dma_wait3A_262, %mul3A_2] : memref<26x16384xi32, #tpu.memory_space<hbm>> -> memref<1x512xi32, #tpu.memory_space<hbm>>
    %dma_wait3A_270 = tpu.memref_squeeze %dma_wait3A_269 : memref<1x512xi32, #tpu.memory_space<hbm>> -> memref<512xi32, #tpu.memory_space<hbm>>
    tpu.wait_dma2 semaphore(%arg12 : memref<!tpu.dma_semaphore, #tpu.memory_space<semaphore_mem>>) src(%dma_wait3A_270 : memref<512xi32, #tpu.memory_space<hbm>>) dst(%dma_wait3A_268 : memref<512xi32, #tpu.memory_space<vmem>>)
    %dma_wait3A_271 = arith.constant 4 : i32
    %dma_wait3A_272 = arith.constant 2048 : i32
    %dma_wait3A_273 = tpu.memref_slice %arg6[%dma_wait3A_272] : memref<6656xi32, #tpu.memory_space<vmem>> -> memref<512xi32, #tpu.memory_space<vmem>>
    %dma_wait3A_274 = tpu.memref_slice %arg2[%dma_wait3A_271, %mul3A_2] : memref<26x16384xi32, #tpu.memory_space<hbm>> -> memref<1x512xi32, #tpu.memory_space<hbm>>
    %dma_wait3A_275 = tpu.memref_squeeze %dma_wait3A_274 : memref<1x512xi32, #tpu.memory_space<hbm>> -> memref<512xi32, #tpu.memory_space<hbm>>
    %dma_wait3A_276 = arith.constant 2048 : i32
    %dma_wait3A_277 = tpu.memref_slice %arg6[%dma_wait3A_276] : memref<6656xi32, #tpu.memory_space<vmem>> -> memref<512xi32, #tpu.memory_space<vmem>>
    %dma_wait3A_278 = tpu.memref_slice %arg2[%dma_wait3A_271, %mul3A_2] : memref<26x16384xi32, #tpu.memory_space<hbm>> -> memref<1x512xi32, #tpu.memory_space<hbm>>
    %dma_wait3A_279 = tpu.memref_squeeze %dma_wait3A_278 : memref<1x512xi32, #tpu.memory_space<hbm>> -> memref<512xi32, #tpu.memory_space<hbm>>
    tpu.wait_dma2 semaphore(%arg12 : memref<!tpu.dma_semaphore, #tpu.memory_space<semaphore_mem>>) src(%dma_wait3A_279 : memref<512xi32, #tpu.memory_space<hbm>>) dst(%dma_wait3A_277 : memref<512xi32, #tpu.memory_space<vmem>>)
    %dma_wait3A_280 = arith.constant 5 : i32
    %dma_wait3A_281 = arith.constant 2560 : i32
    %dma_wait3A_282 = tpu.memref_slice %arg6[%dma_wait3A_281] : memref<6656xi32, #tpu.memory_space<vmem>> -> memref<512xi32, #tpu.memory_space<vmem>>
    %dma_wait3A_283 = tpu.memref_slice %arg2[%dma_wait3A_280, %mul3A_2] : memref<26x16384xi32, #tpu.memory_space<hbm>> -> memref<1x512xi32, #tpu.memory_space<hbm>>
    %dma_wait3A_284 = tpu.memref_squeeze %dma_wait3A_283 : memref<1x512xi32, #tpu.memory_space<hbm>> -> memref<512xi32, #tpu.memory_space<hbm>>
    %dma_wait3A_285 = arith.constant 2560 : i32
    %dma_wait3A_286 = tpu.memref_slice %arg6[%dma_wait3A_285] : memref<6656xi32, #tpu.memory_space<vmem>> -> memref<512xi32, #tpu.memory_space<vmem>>
    %dma_wait3A_287 = tpu.memref_slice %arg2[%dma_wait3A_280, %mul3A_2] : memref<26x16384xi32, #tpu.memory_space<hbm>> -> memref<1x512xi32, #tpu.memory_space<hbm>>
    %dma_wait3A_288 = tpu.memref_squeeze %dma_wait3A_287 : memref<1x512xi32, #tpu.memory_space<hbm>> -> memref<512xi32, #tpu.memory_space<hbm>>
    tpu.wait_dma2 semaphore(%arg12 : memref<!tpu.dma_semaphore, #tpu.memory_space<semaphore_mem>>) src(%dma_wait3A_288 : memref<512xi32, #tpu.memory_space<hbm>>) dst(%dma_wait3A_286 : memref<512xi32, #tpu.memory_space<vmem>>)
    %dma_wait3A_289 = arith.constant 6 : i32
    %dma_wait3A_290 = arith.constant 3072 : i32
    %dma_wait3A_291 = tpu.memref_slice %arg6[%dma_wait3A_290] : memref<6656xi32, #tpu.memory_space<vmem>> -> memref<512xi32, #tpu.memory_space<vmem>>
    %dma_wait3A_292 = tpu.memref_slice %arg2[%dma_wait3A_289, %mul3A_2] : memref<26x16384xi32, #tpu.memory_space<hbm>> -> memref<1x512xi32, #tpu.memory_space<hbm>>
    %dma_wait3A_293 = tpu.memref_squeeze %dma_wait3A_292 : memref<1x512xi32, #tpu.memory_space<hbm>> -> memref<512xi32, #tpu.memory_space<hbm>>
    %dma_wait3A_294 = arith.constant 3072 : i32
    %dma_wait3A_295 = tpu.memref_slice %arg6[%dma_wait3A_294] : memref<6656xi32, #tpu.memory_space<vmem>> -> memref<512xi32, #tpu.memory_space<vmem>>
    %dma_wait3A_296 = tpu.memref_slice %arg2[%dma_wait3A_289, %mul3A_2] : memref<26x16384xi32, #tpu.memory_space<hbm>> -> memref<1x512xi32, #tpu.memory_space<hbm>>
    %dma_wait3A_297 = tpu.memref_squeeze %dma_wait3A_296 : memref<1x512xi32, #tpu.memory_space<hbm>> -> memref<512xi32, #tpu.memory_space<hbm>>
    tpu.wait_dma2 semaphore(%arg12 : memref<!tpu.dma_semaphore, #tpu.memory_space<semaphore_mem>>) src(%dma_wait3A_297 : memref<512xi32, #tpu.memory_space<hbm>>) dst(%dma_wait3A_295 : memref<512xi32, #tpu.memory_space<vmem>>)
    %dma_wait3A_298 = arith.constant 7 : i32
    %dma_wait3A_299 = arith.constant 3584 : i32
    %dma_wait3A_300 = tpu.memref_slice %arg6[%dma_wait3A_299] : memref<6656xi32, #tpu.memory_space<vmem>> -> memref<512xi32, #tpu.memory_space<vmem>>
    %dma_wait3A_301 = tpu.memref_slice %arg2[%dma_wait3A_298, %mul3A_2] : memref<26x16384xi32, #tpu.memory_space<hbm>> -> memref<1x512xi32, #tpu.memory_space<hbm>>
    %dma_wait3A_302 = tpu.memref_squeeze %dma_wait3A_301 : memref<1x512xi32, #tpu.memory_space<hbm>> -> memref<512xi32, #tpu.memory_space<hbm>>
    %dma_wait3A_303 = arith.constant 3584 : i32
    %dma_wait3A_304 = tpu.memref_slice %arg6[%dma_wait3A_303] : memref<6656xi32, #tpu.memory_space<vmem>> -> memref<512xi32, #tpu.memory_space<vmem>>
    %dma_wait3A_305 = tpu.memref_slice %arg2[%dma_wait3A_298, %mul3A_2] : memref<26x16384xi32, #tpu.memory_space<hbm>> -> memref<1x512xi32, #tpu.memory_space<hbm>>
    %dma_wait3A_306 = tpu.memref_squeeze %dma_wait3A_305 : memref<1x512xi32, #tpu.memory_space<hbm>> -> memref<512xi32, #tpu.memory_space<hbm>>
    tpu.wait_dma2 semaphore(%arg12 : memref<!tpu.dma_semaphore, #tpu.memory_space<semaphore_mem>>) src(%dma_wait3A_306 : memref<512xi32, #tpu.memory_space<hbm>>) dst(%dma_wait3A_304 : memref<512xi32, #tpu.memory_space<vmem>>)
    %dma_wait3A_307 = arith.constant 8 : i32
    %dma_wait3A_308 = arith.constant 4096 : i32
    %dma_wait3A_309 = tpu.memref_slice %arg6[%dma_wait3A_308] : memref<6656xi32, #tpu.memory_space<vmem>> -> memref<512xi32, #tpu.memory_space<vmem>>
    %dma_wait3A_310 = tpu.memref_slice %arg2[%dma_wait3A_307, %mul3A_2] : memref<26x16384xi32, #tpu.memory_space<hbm>> -> memref<1x512xi32, #tpu.memory_space<hbm>>
    %dma_wait3A_311 = tpu.memref_squeeze %dma_wait3A_310 : memref<1x512xi32, #tpu.memory_space<hbm>> -> memref<512xi32, #tpu.memory_space<hbm>>
    %dma_wait3A_312 = arith.constant 4096 : i32
    %dma_wait3A_313 = tpu.memref_slice %arg6[%dma_wait3A_312] : memref<6656xi32, #tpu.memory_space<vmem>> -> memref<512xi32, #tpu.memory_space<vmem>>
    %dma_wait3A_314 = tpu.memref_slice %arg2[%dma_wait3A_307, %mul3A_2] : memref<26x16384xi32, #tpu.memory_space<hbm>> -> memref<1x512xi32, #tpu.memory_space<hbm>>
    %dma_wait3A_315 = tpu.memref_squeeze %dma_wait3A_314 : memref<1x512xi32, #tpu.memory_space<hbm>> -> memref<512xi32, #tpu.memory_space<hbm>>
    tpu.wait_dma2 semaphore(%arg12 : memref<!tpu.dma_semaphore, #tpu.memory_space<semaphore_mem>>) src(%dma_wait3A_315 : memref<512xi32, #tpu.memory_space<hbm>>) dst(%dma_wait3A_313 : memref<512xi32, #tpu.memory_space<vmem>>)
    %dma_wait3A_316 = arith.constant 9 : i32
    %dma_wait3A_317 = arith.constant 4608 : i32
    %dma_wait3A_318 = tpu.memref_slice %arg6[%dma_wait3A_317] : memref<6656xi32, #tpu.memory_space<vmem>> -> memref<512xi32, #tpu.memory_space<vmem>>
    %dma_wait3A_319 = tpu.memref_slice %arg2[%dma_wait3A_316, %mul3A_2] : memref<26x16384xi32, #tpu.memory_space<hbm>> -> memref<1x512xi32, #tpu.memory_space<hbm>>
    %dma_wait3A_320 = tpu.memref_squeeze %dma_wait3A_319 : memref<1x512xi32, #tpu.memory_space<hbm>> -> memref<512xi32, #tpu.memory_space<hbm>>
    %dma_wait3A_321 = arith.constant 4608 : i32
    %dma_wait3A_322 = tpu.memref_slice %arg6[%dma_wait3A_321] : memref<6656xi32, #tpu.memory_space<vmem>> -> memref<512xi32, #tpu.memory_space<vmem>>
    %dma_wait3A_323 = tpu.memref_slice %arg2[%dma_wait3A_316, %mul3A_2] : memref<26x16384xi32, #tpu.memory_space<hbm>> -> memref<1x512xi32, #tpu.memory_space<hbm>>
    %dma_wait3A_324 = tpu.memref_squeeze %dma_wait3A_323 : memref<1x512xi32, #tpu.memory_space<hbm>> -> memref<512xi32, #tpu.memory_space<hbm>>
    tpu.wait_dma2 semaphore(%arg12 : memref<!tpu.dma_semaphore, #tpu.memory_space<semaphore_mem>>) src(%dma_wait3A_324 : memref<512xi32, #tpu.memory_space<hbm>>) dst(%dma_wait3A_322 : memref<512xi32, #tpu.memory_space<vmem>>)
    %dma_wait3A_325 = arith.constant 10 : i32
    %dma_wait3A_326 = arith.constant 5120 : i32
    %dma_wait3A_327 = tpu.memref_slice %arg6[%dma_wait3A_326] : memref<6656xi32, #tpu.memory_space<vmem>> -> memref<512xi32, #tpu.memory_space<vmem>>
    %dma_wait3A_328 = tpu.memref_slice %arg2[%dma_wait3A_325, %mul3A_2] : memref<26x16384xi32, #tpu.memory_space<hbm>> -> memref<1x512xi32, #tpu.memory_space<hbm>>
    %dma_wait3A_329 = tpu.memref_squeeze %dma_wait3A_328 : memref<1x512xi32, #tpu.memory_space<hbm>> -> memref<512xi32, #tpu.memory_space<hbm>>
    %dma_wait3A_330 = arith.constant 5120 : i32
    %dma_wait3A_331 = tpu.memref_slice %arg6[%dma_wait3A_330] : memref<6656xi32, #tpu.memory_space<vmem>> -> memref<512xi32, #tpu.memory_space<vmem>>
    %dma_wait3A_332 = tpu.memref_slice %arg2[%dma_wait3A_325, %mul3A_2] : memref<26x16384xi32, #tpu.memory_space<hbm>> -> memref<1x512xi32, #tpu.memory_space<hbm>>
    %dma_wait3A_333 = tpu.memref_squeeze %dma_wait3A_332 : memref<1x512xi32, #tpu.memory_space<hbm>> -> memref<512xi32, #tpu.memory_space<hbm>>
    tpu.wait_dma2 semaphore(%arg12 : memref<!tpu.dma_semaphore, #tpu.memory_space<semaphore_mem>>) src(%dma_wait3A_333 : memref<512xi32, #tpu.memory_space<hbm>>) dst(%dma_wait3A_331 : memref<512xi32, #tpu.memory_space<vmem>>)
    %dma_wait3A_334 = arith.constant 11 : i32
    %dma_wait3A_335 = arith.constant 5632 : i32
    %dma_wait3A_336 = tpu.memref_slice %arg6[%dma_wait3A_335] : memref<6656xi32, #tpu.memory_space<vmem>> -> memref<512xi32, #tpu.memory_space<vmem>>
    %dma_wait3A_337 = tpu.memref_slice %arg2[%dma_wait3A_334, %mul3A_2] : memref<26x16384xi32, #tpu.memory_space<hbm>> -> memref<1x512xi32, #tpu.memory_space<hbm>>
    %dma_wait3A_338 = tpu.memref_squeeze %dma_wait3A_337 : memref<1x512xi32, #tpu.memory_space<hbm>> -> memref<512xi32, #tpu.memory_space<hbm>>
    %dma_wait3A_339 = arith.constant 5632 : i32
    %dma_wait3A_340 = tpu.memref_slice %arg6[%dma_wait3A_339] : memref<6656xi32, #tpu.memory_space<vmem>> -> memref<512xi32, #tpu.memory_space<vmem>>
    %dma_wait3A_341 = tpu.memref_slice %arg2[%dma_wait3A_334, %mul3A_2] : memref<26x16384xi32, #tpu.memory_space<hbm>> -> memref<1x512xi32, #tpu.memory_space<hbm>>
    %dma_wait3A_342 = tpu.memref_squeeze %dma_wait3A_341 : memref<1x512xi32, #tpu.memory_space<hbm>> -> memref<512xi32, #tpu.memory_space<hbm>>
    tpu.wait_dma2 semaphore(%arg12 : memref<!tpu.dma_semaphore, #tpu.memory_space<semaphore_mem>>) src(%dma_wait3A_342 : memref<512xi32, #tpu.memory_space<hbm>>) dst(%dma_wait3A_340 : memref<512xi32, #tpu.memory_space<vmem>>)
    %dma_wait3A_343 = arith.constant 12 : i32
    %dma_wait3A_344 = arith.constant 6144 : i32
    %dma_wait3A_345 = tpu.memref_slice %arg6[%dma_wait3A_344] : memref<6656xi32, #tpu.memory_space<vmem>> -> memref<512xi32, #tpu.memory_space<vmem>>
    %dma_wait3A_346 = tpu.memref_slice %arg2[%dma_wait3A_343, %mul3A_2] : memref<26x16384xi32, #tpu.memory_space<hbm>> -> memref<1x512xi32, #tpu.memory_space<hbm>>
    %dma_wait3A_347 = tpu.memref_squeeze %dma_wait3A_346 : memref<1x512xi32, #tpu.memory_space<hbm>> -> memref<512xi32, #tpu.memory_space<hbm>>
    %dma_wait3A_348 = arith.constant 6144 : i32
    %dma_wait3A_349 = tpu.memref_slice %arg6[%dma_wait3A_348] : memref<6656xi32, #tpu.memory_space<vmem>> -> memref<512xi32, #tpu.memory_space<vmem>>
    %dma_wait3A_350 = tpu.memref_slice %arg2[%dma_wait3A_343, %mul3A_2] : memref<26x16384xi32, #tpu.memory_space<hbm>> -> memref<1x512xi32, #tpu.memory_space<hbm>>
    %dma_wait3A_351 = tpu.memref_squeeze %dma_wait3A_350 : memref<1x512xi32, #tpu.memory_space<hbm>> -> memref<512xi32, #tpu.memory_space<hbm>>
    tpu.wait_dma2 semaphore(%arg12 : memref<!tpu.dma_semaphore, #tpu.memory_space<semaphore_mem>>) src(%dma_wait3A_351 : memref<512xi32, #tpu.memory_space<hbm>>) dst(%dma_wait3A_349 : memref<512xi32, #tpu.memory_space<vmem>>)
    %scan3A = arith.constant 0 : i32
    %scan3A_352 = arith.constant 32 : i32
    %scan3A_353 = arith.addi %scan3A, %scan3A_352 : i32
    %scan3A_354 = arith.constant 1 : i32
    scf.for %scan3A_497 = %scan3A to %scan3A_353 step %scan3A_354  : i32 {
      %mul3A_498 = arith.constant 16 : i32
      %mul3A_499 = arith.muli %scan3A_497, %mul3A_498 : i32
      %add3A_500 = arith.constant 512 : i32
      %add3A_501 = arith.addi %add3A_500, %mul3A_499 : i32
      %get3A_502 = arith.index_cast %add3A_501 : i32 to index
      %get3A_503 = tpu.vector_load %arg6[%get3A_502] {strides = array<i32>} : memref<6656xi32, #tpu.memory_space<vmem>>, vector<16xi32>,
      %add3A_504 = arith.constant 100000 : i32
      %add3A_505 = vector.broadcast %add3A_504 : i32 to vector<16xi32>
      %add3A_506 = arith.addi %get3A_503, %add3A_505 : vector<16xi32>
      %swap3A = arith.index_cast %add3A_501 : i32 to index
      %swap3A_507 = tpu.vector_load %arg6[%swap3A] {strides = array<i32>} : memref<6656xi32, #tpu.memory_space<vmem>>, vector<16xi32>,
      tpu.vector_store %arg6[%swap3A], %add3A_506 {strides = array<i32>} : memref<6656xi32, #tpu.memory_space<vmem>>, vector<16xi32>,
      %mul3A_508 = arith.constant 16 : i32
      %mul3A_509 = arith.muli %scan3A_497, %mul3A_508 : i32
      %add3A_510 = arith.constant 1024 : i32
      %add3A_511 = arith.addi %add3A_510, %mul3A_509 : i32
      %get3A_512 = arith.index_cast %add3A_511 : i32 to index
      %get3A_513 = tpu.vector_load %arg6[%get3A_512] {strides = array<i32>} : memref<6656xi32, #tpu.memory_space<vmem>>, vector<16xi32>,
      %add3A_514 = arith.constant 200000 : i32
      %add3A_515 = vector.broadcast %add3A_514 : i32 to vector<16xi32>
      %add3A_516 = arith.addi %get3A_513, %add3A_515 : vector<16xi32>
      %swap3A_517 = arith.index_cast %add3A_511 : i32 to index
      %swap3A_518 = tpu.vector_load %arg6[%swap3A_517] {strides = array<i32>} : memref<6656xi32, #tpu.memory_space<vmem>>, vector<16xi32>,
      tpu.vector_store %arg6[%swap3A_517], %add3A_516 {strides = array<i32>} : memref<6656xi32, #tpu.memory_space<vmem>>, vector<16xi32>,
      %mul3A_519 = arith.constant 16 : i32
      %mul3A_520 = arith.muli %scan3A_497, %mul3A_519 : i32
      %add3A_521 = arith.constant 1536 : i32
      %add3A_522 = arith.addi %add3A_521, %mul3A_520 : i32
      %get3A_523 = arith.index_cast %add3A_522 : i32 to index
      %get3A_524 = tpu.vector_load %arg6[%get3A_523] {strides = array<i32>} : memref<6656xi32, #tpu.memory_space<vmem>>, vector<16xi32>,
      %add3A_525 = arith.constant 300000 : i32
      %add3A_526 = vector.broadcast %add3A_525 : i32 to vector<16xi32>
      %add3A_527 = arith.addi %get3A_524, %add3A_526 : vector<16xi32>
      %swap3A_528 = arith.index_cast %add3A_522 : i32 to index
      %swap3A_529 = tpu.vector_load %arg6[%swap3A_528] {strides = array<i32>} : memref<6656xi32, #tpu.memory_space<vmem>>, vector<16xi32>,
      tpu.vector_store %arg6[%swap3A_528], %add3A_527 {strides = array<i32>} : memref<6656xi32, #tpu.memory_space<vmem>>, vector<16xi32>,
      %mul3A_530 = arith.constant 16 : i32
      %mul3A_531 = arith.muli %scan3A_497, %mul3A_530 : i32
      %add3A_532 = arith.constant 2048 : i32
      %add3A_533 = arith.addi %add3A_532, %mul3A_531 : i32
      %get3A_534 = arith.index_cast %add3A_533 : i32 to index
      %get3A_535 = tpu.vector_load %arg6[%get3A_534] {strides = array<i32>} : memref<6656xi32, #tpu.memory_space<vmem>>, vector<16xi32>,
      %add3A_536 = arith.constant 400000 : i32
      %add3A_537 = vector.broadcast %add3A_536 : i32 to vector<16xi32>
      %add3A_538 = arith.addi %get3A_535, %add3A_537 : vector<16xi32>
      %swap3A_539 = arith.index_cast %add3A_533 : i32 to index
      %swap3A_540 = tpu.vector_load %arg6[%swap3A_539] {strides = array<i32>} : memref<6656xi32, #tpu.memory_space<vmem>>, vector<16xi32>,
      tpu.vector_store %arg6[%swap3A_539], %add3A_538 {strides = array<i32>} : memref<6656xi32, #tpu.memory_space<vmem>>, vector<16xi32>,
      %mul3A_541 = arith.constant 16 : i32
      %mul3A_542 = arith.muli %scan3A_497, %mul3A_541 : i32
      %add3A_543 = arith.constant 2560 : i32
      %add3A_544 = arith.addi %add3A_543, %mul3A_542 : i32
      %get3A_545 = arith.index_cast %add3A_544 : i32 to index
      %get3A_546 = tpu.vector_load %arg6[%get3A_545] {strides = array<i32>} : memref<6656xi32, #tpu.memory_space<vmem>>, vector<16xi32>,
      %add3A_547 = arith.constant 500000 : i32
      %add3A_548 = vector.broadcast %add3A_547 : i32 to vector<16xi32>
      %add3A_549 = arith.addi %get3A_546, %add3A_548 : vector<16xi32>
      %swap3A_550 = arith.index_cast %add3A_544 : i32 to index
      %swap3A_551 = tpu.vector_load %arg6[%swap3A_550] {strides = array<i32>} : memref<6656xi32, #tpu.memory_space<vmem>>, vector<16xi32>,
      tpu.vector_store %arg6[%swap3A_550], %add3A_549 {strides = array<i32>} : memref<6656xi32, #tpu.memory_space<vmem>>, vector<16xi32>,
      %mul3A_552 = arith.constant 16 : i32
      %mul3A_553 = arith.muli %scan3A_497, %mul3A_552 : i32
      %add3A_554 = arith.constant 3072 : i32
      %add3A_555 = arith.addi %add3A_554, %mul3A_553 : i32
      %get3A_556 = arith.index_cast %add3A_555 : i32 to index
      %get3A_557 = tpu.vector_load %arg6[%get3A_556] {strides = array<i32>} : memref<6656xi32, #tpu.memory_space<vmem>>, vector<16xi32>,
      %add3A_558 = arith.constant 600000 : i32
      %add3A_559 = vector.broadcast %add3A_558 : i32 to vector<16xi32>
      %add3A_560 = arith.addi %get3A_557, %add3A_559 : vector<16xi32>
      %swap3A_561 = arith.index_cast %add3A_555 : i32 to index
      %swap3A_562 = tpu.vector_load %arg6[%swap3A_561] {strides = array<i32>} : memref<6656xi32, #tpu.memory_space<vmem>>, vector<16xi32>,
      tpu.vector_store %arg6[%swap3A_561], %add3A_560 {strides = array<i32>} : memref<6656xi32, #tpu.memory_space<vmem>>, vector<16xi32>,
      %mul3A_563 = arith.constant 16 : i32
      %mul3A_564 = arith.muli %scan3A_497, %mul3A_563 : i32
      %add3A_565 = arith.constant 3584 : i32
      %add3A_566 = arith.addi %add3A_565, %mul3A_564 : i32
      %get3A_567 = arith.index_cast %add3A_566 : i32 to index
      %get3A_568 = tpu.vector_load %arg6[%get3A_567] {strides = array<i32>} : memref<6656xi32, #tpu.memory_space<vmem>>, vector<16xi32>,
      %add3A_569 = arith.constant 700000 : i32
      %add3A_570 = vector.broadcast %add3A_569 : i32 to vector<16xi32>
      %add3A_571 = arith.addi %get3A_568, %add3A_570 : vector<16xi32>
      %swap3A_572 = arith.index_cast %add3A_566 : i32 to index
      %swap3A_573 = tpu.vector_load %arg6[%swap3A_572] {strides = array<i32>} : memref<6656xi32, #tpu.memory_space<vmem>>, vector<16xi32>,
      tpu.vector_store %arg6[%swap3A_572], %add3A_571 {strides = array<i32>} : memref<6656xi32, #tpu.memory_space<vmem>>, vector<16xi32>,
      %mul3A_574 = arith.constant 16 : i32
      %mul3A_575 = arith.muli %scan3A_497, %mul3A_574 : i32
      %add3A_576 = arith.constant 4096 : i32
      %add3A_577 = arith.addi %add3A_576, %mul3A_575 : i32
      %get3A_578 = arith.index_cast %add3A_577 : i32 to index
      %get3A_579 = tpu.vector_load %arg6[%get3A_578] {strides = array<i32>} : memref<6656xi32, #tpu.memory_space<vmem>>, vector<16xi32>,
      %add3A_580 = arith.constant 800000 : i32
      %add3A_581 = vector.broadcast %add3A_580 : i32 to vector<16xi32>
      %add3A_582 = arith.addi %get3A_579, %add3A_581 : vector<16xi32>
      %swap3A_583 = arith.index_cast %add3A_577 : i32 to index
      %swap3A_584 = tpu.vector_load %arg6[%swap3A_583] {strides = array<i32>} : memref<6656xi32, #tpu.memory_space<vmem>>, vector<16xi32>,
      tpu.vector_store %arg6[%swap3A_583], %add3A_582 {strides = array<i32>} : memref<6656xi32, #tpu.memory_space<vmem>>, vector<16xi32>,
      %mul3A_585 = arith.constant 16 : i32
      %mul3A_586 = arith.muli %scan3A_497, %mul3A_585 : i32
      %add3A_587 = arith.constant 4608 : i32
      %add3A_588 = arith.addi %add3A_587, %mul3A_586 : i32
      %get3A_589 = arith.index_cast %add3A_588 : i32 to index
      %get3A_590 = tpu.vector_load %arg6[%get3A_589] {strides = array<i32>} : memref<6656xi32, #tpu.memory_space<vmem>>, vector<16xi32>,
      %add3A_591 = arith.constant 900000 : i32
      %add3A_592 = vector.broadcast %add3A_591 : i32 to vector<16xi32>
      %add3A_593 = arith.addi %get3A_590, %add3A_592 : vector<16xi32>
      %swap3A_594 = arith.index_cast %add3A_588 : i32 to index
      %swap3A_595 = tpu.vector_load %arg6[%swap3A_594] {strides = array<i32>} : memref<6656xi32, #tpu.memory_space<vmem>>, vector<16xi32>,
      tpu.vector_store %arg6[%swap3A_594], %add3A_593 {strides = array<i32>} : memref<6656xi32, #tpu.memory_space<vmem>>, vector<16xi32>,
      %mul3A_596 = arith.constant 16 : i32
      %mul3A_597 = arith.muli %scan3A_497, %mul3A_596 : i32
      %add3A_598 = arith.constant 5120 : i32
      %add3A_599 = arith.addi %add3A_598, %mul3A_597 : i32
      %get3A_600 = arith.index_cast %add3A_599 : i32 to index
      %get3A_601 = tpu.vector_load %arg6[%get3A_600] {strides = array<i32>} : memref<6656xi32, #tpu.memory_space<vmem>>, vector<16xi32>,
      %add3A_602 = arith.constant 1000000 : i32
      %add3A_603 = vector.broadcast %add3A_602 : i32 to vector<16xi32>
      %add3A_604 = arith.addi %get3A_601, %add3A_603 : vector<16xi32>
      %swap3A_605 = arith.index_cast %add3A_599 : i32 to index
      %swap3A_606 = tpu.vector_load %arg6[%swap3A_605] {strides = array<i32>} : memref<6656xi32, #tpu.memory_space<vmem>>, vector<16xi32>,
      tpu.vector_store %arg6[%swap3A_605], %add3A_604 {strides = array<i32>} : memref<6656xi32, #tpu.memory_space<vmem>>, vector<16xi32>,
      %mul3A_607 = arith.constant 16 : i32
      %mul3A_608 = arith.muli %scan3A_497, %mul3A_607 : i32
      %add3A_609 = arith.constant 5632 : i32
      %add3A_610 = arith.addi %add3A_609, %mul3A_608 : i32
      %get3A_611 = arith.index_cast %add3A_610 : i32 to index
      %get3A_612 = tpu.vector_load %arg6[%get3A_611] {strides = array<i32>} : memref<6656xi32, #tpu.memory_space<vmem>>, vector<16xi32>,
      %add3A_613 = arith.constant 1100000 : i32
      %add3A_614 = vector.broadcast %add3A_613 : i32 to vector<16xi32>
      %add3A_615 = arith.addi %get3A_612, %add3A_614 : vector<16xi32>
      %swap3A_616 = arith.index_cast %add3A_610 : i32 to index
      %swap3A_617 = tpu.vector_load %arg6[%swap3A_616] {strides = array<i32>} : memref<6656xi32, #tpu.memory_space<vmem>>, vector<16xi32>,
      tpu.vector_store %arg6[%swap3A_616], %add3A_615 {strides = array<i32>} : memref<6656xi32, #tpu.memory_space<vmem>>, vector<16xi32>,
      %mul3A_618 = arith.constant 16 : i32
      %mul3A_619 = arith.muli %scan3A_497, %mul3A_618 : i32
      %add3A_620 = arith.constant 6144 : i32
      %add3A_621 = arith.addi %add3A_620, %mul3A_619 : i32
      %get3A_622 = arith.index_cast %add3A_621 : i32 to index
      %get3A_623 = tpu.vector_load %arg6[%get3A_622] {strides = array<i32>} : memref<6656xi32, #tpu.memory_space<vmem>>, vector<16xi32>,
      %add3A_624 = arith.constant 1200000 : i32
      %add3A_625 = vector.broadcast %add3A_624 : i32 to vector<16xi32>
      %add3A_626 = arith.addi %get3A_623, %add3A_625 : vector<16xi32>
      %swap3A_627 = arith.index_cast %add3A_621 : i32 to index
      %swap3A_628 = tpu.vector_load %arg6[%swap3A_627] {strides = array<i32>} : memref<6656xi32, #tpu.memory_space<vmem>>, vector<16xi32>,
      tpu.vector_store %arg6[%swap3A_627], %add3A_626 {strides = array<i32>} : memref<6656xi32, #tpu.memory_space<vmem>>, vector<16xi32>,
    }
    %scan3A_355 = arith.constant 32 : i32
    %dma_start3A_356 = arith.constant 0 : i32
    %dma_start3A_357 = tpu.memref_slice %arg3[%dma_start3A_356] : memref<2600000xf32, #tpu.memory_space<hbm>> -> memref<2600000xf32, #tpu.memory_space<hbm>>
    tpu.enqueue_indirect_dma source(%dma_start3A_357 : memref<2600000xf32, #tpu.memory_space<hbm>>) target(%arg8 : memref<6656xf32, #tpu.memory_space<vmem>>) offsets(%arg6 : memref<6656xi32, #tpu.memory_space<vmem>>) semaphore(%arg14 : memref<!tpu.dma_semaphore, #tpu.memory_space<semaphore_mem>>)
    %dma_wait3A_358 = arith.constant 13 : i32
    %dma_wait3A_359 = arith.constant 0 : i32
    %dma_wait3A_360 = tpu.memref_slice %arg7[%dma_wait3A_359] : memref<6656xi32, #tpu.memory_space<vmem>> -> memref<512xi32, #tpu.memory_space<vmem>>
    %dma_wait3A_361 = tpu.memref_slice %arg2[%dma_wait3A_358, %mul3A_2] : memref<26x16384xi32, #tpu.memory_space<hbm>> -> memref<1x512xi32, #tpu.memory_space<hbm>>
    %dma_wait3A_362 = tpu.memref_squeeze %dma_wait3A_361 : memref<1x512xi32, #tpu.memory_space<hbm>> -> memref<512xi32, #tpu.memory_space<hbm>>
    %dma_wait3A_363 = arith.constant 0 : i32
    %dma_wait3A_364 = tpu.memref_slice %arg7[%dma_wait3A_363] : memref<6656xi32, #tpu.memory_space<vmem>> -> memref<512xi32, #tpu.memory_space<vmem>>
    %dma_wait3A_365 = tpu.memref_slice %arg2[%dma_wait3A_358, %mul3A_2] : memref<26x16384xi32, #tpu.memory_space<hbm>> -> memref<1x512xi32, #tpu.memory_space<hbm>>
    %dma_wait3A_366 = tpu.memref_squeeze %dma_wait3A_365 : memref<1x512xi32, #tpu.memory_space<hbm>> -> memref<512xi32, #tpu.memory_space<hbm>>
    tpu.wait_dma2 semaphore(%arg13 : memref<!tpu.dma_semaphore, #tpu.memory_space<semaphore_mem>>) src(%dma_wait3A_366 : memref<512xi32, #tpu.memory_space<hbm>>) dst(%dma_wait3A_364 : memref<512xi32, #tpu.memory_space<vmem>>)
    %dma_wait3A_367 = arith.constant 14 : i32
    %dma_wait3A_368 = arith.constant 512 : i32
    %dma_wait3A_369 = tpu.memref_slice %arg7[%dma_wait3A_368] : memref<6656xi32, #tpu.memory_space<vmem>> -> memref<512xi32, #tpu.memory_space<vmem>>
    %dma_wait3A_370 = tpu.memref_slice %arg2[%dma_wait3A_367, %mul3A_2] : memref<26x16384xi32, #tpu.memory_space<hbm>> -> memref<1x512xi32, #tpu.memory_space<hbm>>
    %dma_wait3A_371 = tpu.memref_squeeze %dma_wait3A_370 : memref<1x512xi32, #tpu.memory_space<hbm>> -> memref<512xi32, #tpu.memory_space<hbm>>
    %dma_wait3A_372 = arith.constant 512 : i32
    %dma_wait3A_373 = tpu.memref_slice %arg7[%dma_wait3A_372] : memref<6656xi32, #tpu.memory_space<vmem>> -> memref<512xi32, #tpu.memory_space<vmem>>
    %dma_wait3A_374 = tpu.memref_slice %arg2[%dma_wait3A_367, %mul3A_2] : memref<26x16384xi32, #tpu.memory_space<hbm>> -> memref<1x512xi32, #tpu.memory_space<hbm>>
    %dma_wait3A_375 = tpu.memref_squeeze %dma_wait3A_374 : memref<1x512xi32, #tpu.memory_space<hbm>> -> memref<512xi32, #tpu.memory_space<hbm>>
    tpu.wait_dma2 semaphore(%arg13 : memref<!tpu.dma_semaphore, #tpu.memory_space<semaphore_mem>>) src(%dma_wait3A_375 : memref<512xi32, #tpu.memory_space<hbm>>) dst(%dma_wait3A_373 : memref<512xi32, #tpu.memory_space<vmem>>)
    %dma_wait3A_376 = arith.constant 15 : i32
    %dma_wait3A_377 = arith.constant 1024 : i32
    %dma_wait3A_378 = tpu.memref_slice %arg7[%dma_wait3A_377] : memref<6656xi32, #tpu.memory_space<vmem>> -> memref<512xi32, #tpu.memory_space<vmem>>
    %dma_wait3A_379 = tpu.memref_slice %arg2[%dma_wait3A_376, %mul3A_2] : memref<26x16384xi32, #tpu.memory_space<hbm>> -> memref<1x512xi32, #tpu.memory_space<hbm>>
    %dma_wait3A_380 = tpu.memref_squeeze %dma_wait3A_379 : memref<1x512xi32, #tpu.memory_space<hbm>> -> memref<512xi32, #tpu.memory_space<hbm>>
    %dma_wait3A_381 = arith.constant 1024 : i32
    %dma_wait3A_382 = tpu.memref_slice %arg7[%dma_wait3A_381] : memref<6656xi32, #tpu.memory_space<vmem>> -> memref<512xi32, #tpu.memory_space<vmem>>
    %dma_wait3A_383 = tpu.memref_slice %arg2[%dma_wait3A_376, %mul3A_2] : memref<26x16384xi32, #tpu.memory_space<hbm>> -> memref<1x512xi32, #tpu.memory_space<hbm>>
    %dma_wait3A_384 = tpu.memref_squeeze %dma_wait3A_383 : memref<1x512xi32, #tpu.memory_space<hbm>> -> memref<512xi32, #tpu.memory_space<hbm>>
    tpu.wait_dma2 semaphore(%arg13 : memref<!tpu.dma_semaphore, #tpu.memory_space<semaphore_mem>>) src(%dma_wait3A_384 : memref<512xi32, #tpu.memory_space<hbm>>) dst(%dma_wait3A_382 : memref<512xi32, #tpu.memory_space<vmem>>)
    %dma_wait3A_385 = arith.constant 16 : i32
    %dma_wait3A_386 = arith.constant 1536 : i32
    %dma_wait3A_387 = tpu.memref_slice %arg7[%dma_wait3A_386] : memref<6656xi32, #tpu.memory_space<vmem>> -> memref<512xi32, #tpu.memory_space<vmem>>
    %dma_wait3A_388 = tpu.memref_slice %arg2[%dma_wait3A_385, %mul3A_2] : memref<26x16384xi32, #tpu.memory_space<hbm>> -> memref<1x512xi32, #tpu.memory_space<hbm>>
    %dma_wait3A_389 = tpu.memref_squeeze %dma_wait3A_388 : memref<1x512xi32, #tpu.memory_space<hbm>> -> memref<512xi32, #tpu.memory_space<hbm>>
    %dma_wait3A_390 = arith.constant 1536 : i32
    %dma_wait3A_391 = tpu.memref_slice %arg7[%dma_wait3A_390] : memref<6656xi32, #tpu.memory_space<vmem>> -> memref<512xi32, #tpu.memory_space<vmem>>
    %dma_wait3A_392 = tpu.memref_slice %arg2[%dma_wait3A_385, %mul3A_2] : memref<26x16384xi32, #tpu.memory_space<hbm>> -> memref<1x512xi32, #tpu.memory_space<hbm>>
    %dma_wait3A_393 = tpu.memref_squeeze %dma_wait3A_392 : memref<1x512xi32, #tpu.memory_space<hbm>> -> memref<512xi32, #tpu.memory_space<hbm>>
    tpu.wait_dma2 semaphore(%arg13 : memref<!tpu.dma_semaphore, #tpu.memory_space<semaphore_mem>>) src(%dma_wait3A_393 : memref<512xi32, #tpu.memory_space<hbm>>) dst(%dma_wait3A_391 : memref<512xi32, #tpu.memory_space<vmem>>)
    %dma_wait3A_394 = arith.constant 17 : i32
    %dma_wait3A_395 = arith.constant 2048 : i32
    %dma_wait3A_396 = tpu.memref_slice %arg7[%dma_wait3A_395] : memref<6656xi32, #tpu.memory_space<vmem>> -> memref<512xi32, #tpu.memory_space<vmem>>
    %dma_wait3A_397 = tpu.memref_slice %arg2[%dma_wait3A_394, %mul3A_2] : memref<26x16384xi32, #tpu.memory_space<hbm>> -> memref<1x512xi32, #tpu.memory_space<hbm>>
    %dma_wait3A_398 = tpu.memref_squeeze %dma_wait3A_397 : memref<1x512xi32, #tpu.memory_space<hbm>> -> memref<512xi32, #tpu.memory_space<hbm>>
    %dma_wait3A_399 = arith.constant 2048 : i32
    %dma_wait3A_400 = tpu.memref_slice %arg7[%dma_wait3A_399] : memref<6656xi32, #tpu.memory_space<vmem>> -> memref<512xi32, #tpu.memory_space<vmem>>
    %dma_wait3A_401 = tpu.memref_slice %arg2[%dma_wait3A_394, %mul3A_2] : memref<26x16384xi32, #tpu.memory_space<hbm>> -> memref<1x512xi32, #tpu.memory_space<hbm>>
    %dma_wait3A_402 = tpu.memref_squeeze %dma_wait3A_401 : memref<1x512xi32, #tpu.memory_space<hbm>> -> memref<512xi32, #tpu.memory_space<hbm>>
    tpu.wait_dma2 semaphore(%arg13 : memref<!tpu.dma_semaphore, #tpu.memory_space<semaphore_mem>>) src(%dma_wait3A_402 : memref<512xi32, #tpu.memory_space<hbm>>) dst(%dma_wait3A_400 : memref<512xi32, #tpu.memory_space<vmem>>)
    %dma_wait3A_403 = arith.constant 18 : i32
    %dma_wait3A_404 = arith.constant 2560 : i32
    %dma_wait3A_405 = tpu.memref_slice %arg7[%dma_wait3A_404] : memref<6656xi32, #tpu.memory_space<vmem>> -> memref<512xi32, #tpu.memory_space<vmem>>
    %dma_wait3A_406 = tpu.memref_slice %arg2[%dma_wait3A_403, %mul3A_2] : memref<26x16384xi32, #tpu.memory_space<hbm>> -> memref<1x512xi32, #tpu.memory_space<hbm>>
    %dma_wait3A_407 = tpu.memref_squeeze %dma_wait3A_406 : memref<1x512xi32, #tpu.memory_space<hbm>> -> memref<512xi32, #tpu.memory_space<hbm>>
    %dma_wait3A_408 = arith.constant 2560 : i32
    %dma_wait3A_409 = tpu.memref_slice %arg7[%dma_wait3A_408] : memref<6656xi32, #tpu.memory_space<vmem>> -> memref<512xi32, #tpu.memory_space<vmem>>
    %dma_wait3A_410 = tpu.memref_slice %arg2[%dma_wait3A_403, %mul3A_2] : memref<26x16384xi32, #tpu.memory_space<hbm>> -> memref<1x512xi32, #tpu.memory_space<hbm>>
    %dma_wait3A_411 = tpu.memref_squeeze %dma_wait3A_410 : memref<1x512xi32, #tpu.memory_space<hbm>> -> memref<512xi32, #tpu.memory_space<hbm>>
    tpu.wait_dma2 semaphore(%arg13 : memref<!tpu.dma_semaphore, #tpu.memory_space<semaphore_mem>>) src(%dma_wait3A_411 : memref<512xi32, #tpu.memory_space<hbm>>) dst(%dma_wait3A_409 : memref<512xi32, #tpu.memory_space<vmem>>)
    %dma_wait3A_412 = arith.constant 19 : i32
    %dma_wait3A_413 = arith.constant 3072 : i32
    %dma_wait3A_414 = tpu.memref_slice %arg7[%dma_wait3A_413] : memref<6656xi32, #tpu.memory_space<vmem>> -> memref<512xi32, #tpu.memory_space<vmem>>
    %dma_wait3A_415 = tpu.memref_slice %arg2[%dma_wait3A_412, %mul3A_2] : memref<26x16384xi32, #tpu.memory_space<hbm>> -> memref<1x512xi32, #tpu.memory_space<hbm>>
    %dma_wait3A_416 = tpu.memref_squeeze %dma_wait3A_415 : memref<1x512xi32, #tpu.memory_space<hbm>> -> memref<512xi32, #tpu.memory_space<hbm>>
    %dma_wait3A_417 = arith.constant 3072 : i32
    %dma_wait3A_418 = tpu.memref_slice %arg7[%dma_wait3A_417] : memref<6656xi32, #tpu.memory_space<vmem>> -> memref<512xi32, #tpu.memory_space<vmem>>
    %dma_wait3A_419 = tpu.memref_slice %arg2[%dma_wait3A_412, %mul3A_2] : memref<26x16384xi32, #tpu.memory_space<hbm>> -> memref<1x512xi32, #tpu.memory_space<hbm>>
    %dma_wait3A_420 = tpu.memref_squeeze %dma_wait3A_419 : memref<1x512xi32, #tpu.memory_space<hbm>> -> memref<512xi32, #tpu.memory_space<hbm>>
    tpu.wait_dma2 semaphore(%arg13 : memref<!tpu.dma_semaphore, #tpu.memory_space<semaphore_mem>>) src(%dma_wait3A_420 : memref<512xi32, #tpu.memory_space<hbm>>) dst(%dma_wait3A_418 : memref<512xi32, #tpu.memory_space<vmem>>)
    %dma_wait3A_421 = arith.constant 20 : i32
    %dma_wait3A_422 = arith.constant 3584 : i32
    %dma_wait3A_423 = tpu.memref_slice %arg7[%dma_wait3A_422] : memref<6656xi32, #tpu.memory_space<vmem>> -> memref<512xi32, #tpu.memory_space<vmem>>
    %dma_wait3A_424 = tpu.memref_slice %arg2[%dma_wait3A_421, %mul3A_2] : memref<26x16384xi32, #tpu.memory_space<hbm>> -> memref<1x512xi32, #tpu.memory_space<hbm>>
    %dma_wait3A_425 = tpu.memref_squeeze %dma_wait3A_424 : memref<1x512xi32, #tpu.memory_space<hbm>> -> memref<512xi32, #tpu.memory_space<hbm>>
    %dma_wait3A_426 = arith.constant 3584 : i32
    %dma_wait3A_427 = tpu.memref_slice %arg7[%dma_wait3A_426] : memref<6656xi32, #tpu.memory_space<vmem>> -> memref<512xi32, #tpu.memory_space<vmem>>
    %dma_wait3A_428 = tpu.memref_slice %arg2[%dma_wait3A_421, %mul3A_2] : memref<26x16384xi32, #tpu.memory_space<hbm>> -> memref<1x512xi32, #tpu.memory_space<hbm>>
    %dma_wait3A_429 = tpu.memref_squeeze %dma_wait3A_428 : memref<1x512xi32, #tpu.memory_space<hbm>> -> memref<512xi32, #tpu.memory_space<hbm>>
    tpu.wait_dma2 semaphore(%arg13 : memref<!tpu.dma_semaphore, #tpu.memory_space<semaphore_mem>>) src(%dma_wait3A_429 : memref<512xi32, #tpu.memory_space<hbm>>) dst(%dma_wait3A_427 : memref<512xi32, #tpu.memory_space<vmem>>)
    %dma_wait3A_430 = arith.constant 21 : i32
    %dma_wait3A_431 = arith.constant 4096 : i32
    %dma_wait3A_432 = tpu.memref_slice %arg7[%dma_wait3A_431] : memref<6656xi32, #tpu.memory_space<vmem>> -> memref<512xi32, #tpu.memory_space<vmem>>
    %dma_wait3A_433 = tpu.memref_slice %arg2[%dma_wait3A_430, %mul3A_2] : memref<26x16384xi32, #tpu.memory_space<hbm>> -> memref<1x512xi32, #tpu.memory_space<hbm>>
    %dma_wait3A_434 = tpu.memref_squeeze %dma_wait3A_433 : memref<1x512xi32, #tpu.memory_space<hbm>> -> memref<512xi32, #tpu.memory_space<hbm>>
    %dma_wait3A_435 = arith.constant 4096 : i32
    %dma_wait3A_436 = tpu.memref_slice %arg7[%dma_wait3A_435] : memref<6656xi32, #tpu.memory_space<vmem>> -> memref<512xi32, #tpu.memory_space<vmem>>
    %dma_wait3A_437 = tpu.memref_slice %arg2[%dma_wait3A_430, %mul3A_2] : memref<26x16384xi32, #tpu.memory_space<hbm>> -> memref<1x512xi32, #tpu.memory_space<hbm>>
    %dma_wait3A_438 = tpu.memref_squeeze %dma_wait3A_437 : memref<1x512xi32, #tpu.memory_space<hbm>> -> memref<512xi32, #tpu.memory_space<hbm>>
    tpu.wait_dma2 semaphore(%arg13 : memref<!tpu.dma_semaphore, #tpu.memory_space<semaphore_mem>>) src(%dma_wait3A_438 : memref<512xi32, #tpu.memory_space<hbm>>) dst(%dma_wait3A_436 : memref<512xi32, #tpu.memory_space<vmem>>)
    %dma_wait3A_439 = arith.constant 22 : i32
    %dma_wait3A_440 = arith.constant 4608 : i32
    %dma_wait3A_441 = tpu.memref_slice %arg7[%dma_wait3A_440] : memref<6656xi32, #tpu.memory_space<vmem>> -> memref<512xi32, #tpu.memory_space<vmem>>
    %dma_wait3A_442 = tpu.memref_slice %arg2[%dma_wait3A_439, %mul3A_2] : memref<26x16384xi32, #tpu.memory_space<hbm>> -> memref<1x512xi32, #tpu.memory_space<hbm>>
    %dma_wait3A_443 = tpu.memref_squeeze %dma_wait3A_442 : memref<1x512xi32, #tpu.memory_space<hbm>> -> memref<512xi32, #tpu.memory_space<hbm>>
    %dma_wait3A_444 = arith.constant 4608 : i32
    %dma_wait3A_445 = tpu.memref_slice %arg7[%dma_wait3A_444] : memref<6656xi32, #tpu.memory_space<vmem>> -> memref<512xi32, #tpu.memory_space<vmem>>
    %dma_wait3A_446 = tpu.memref_slice %arg2[%dma_wait3A_439, %mul3A_2] : memref<26x16384xi32, #tpu.memory_space<hbm>> -> memref<1x512xi32, #tpu.memory_space<hbm>>
    %dma_wait3A_447 = tpu.memref_squeeze %dma_wait3A_446 : memref<1x512xi32, #tpu.memory_space<hbm>> -> memref<512xi32, #tpu.memory_space<hbm>>
    tpu.wait_dma2 semaphore(%arg13 : memref<!tpu.dma_semaphore, #tpu.memory_space<semaphore_mem>>) src(%dma_wait3A_447 : memref<512xi32, #tpu.memory_space<hbm>>) dst(%dma_wait3A_445 : memref<512xi32, #tpu.memory_space<vmem>>)
    %dma_wait3A_448 = arith.constant 23 : i32
    %dma_wait3A_449 = arith.constant 5120 : i32
    %dma_wait3A_450 = tpu.memref_slice %arg7[%dma_wait3A_449] : memref<6656xi32, #tpu.memory_space<vmem>> -> memref<512xi32, #tpu.memory_space<vmem>>
    %dma_wait3A_451 = tpu.memref_slice %arg2[%dma_wait3A_448, %mul3A_2] : memref<26x16384xi32, #tpu.memory_space<hbm>> -> memref<1x512xi32, #tpu.memory_space<hbm>>
    %dma_wait3A_452 = tpu.memref_squeeze %dma_wait3A_451 : memref<1x512xi32, #tpu.memory_space<hbm>> -> memref<512xi32, #tpu.memory_space<hbm>>
    %dma_wait3A_453 = arith.constant 5120 : i32
    %dma_wait3A_454 = tpu.memref_slice %arg7[%dma_wait3A_453] : memref<6656xi32, #tpu.memory_space<vmem>> -> memref<512xi32, #tpu.memory_space<vmem>>
    %dma_wait3A_455 = tpu.memref_slice %arg2[%dma_wait3A_448, %mul3A_2] : memref<26x16384xi32, #tpu.memory_space<hbm>> -> memref<1x512xi32, #tpu.memory_space<hbm>>
    %dma_wait3A_456 = tpu.memref_squeeze %dma_wait3A_455 : memref<1x512xi32, #tpu.memory_space<hbm>> -> memref<512xi32, #tpu.memory_space<hbm>>
    tpu.wait_dma2 semaphore(%arg13 : memref<!tpu.dma_semaphore, #tpu.memory_space<semaphore_mem>>) src(%dma_wait3A_456 : memref<512xi32, #tpu.memory_space<hbm>>) dst(%dma_wait3A_454 : memref<512xi32, #tpu.memory_space<vmem>>)
    %dma_wait3A_457 = arith.constant 24 : i32
    %dma_wait3A_458 = arith.constant 5632 : i32
    %dma_wait3A_459 = tpu.memref_slice %arg7[%dma_wait3A_458] : memref<6656xi32, #tpu.memory_space<vmem>> -> memref<512xi32, #tpu.memory_space<vmem>>
    %dma_wait3A_460 = tpu.memref_slice %arg2[%dma_wait3A_457, %mul3A_2] : memref<26x16384xi32, #tpu.memory_space<hbm>> -> memref<1x512xi32, #tpu.memory_space<hbm>>
    %dma_wait3A_461 = tpu.memref_squeeze %dma_wait3A_460 : memref<1x512xi32, #tpu.memory_space<hbm>> -> memref<512xi32, #tpu.memory_space<hbm>>
    %dma_wait3A_462 = arith.constant 5632 : i32
    %dma_wait3A_463 = tpu.memref_slice %arg7[%dma_wait3A_462] : memref<6656xi32, #tpu.memory_space<vmem>> -> memref<512xi32, #tpu.memory_space<vmem>>
    %dma_wait3A_464 = tpu.memref_slice %arg2[%dma_wait3A_457, %mul3A_2] : memref<26x16384xi32, #tpu.memory_space<hbm>> -> memref<1x512xi32, #tpu.memory_space<hbm>>
    %dma_wait3A_465 = tpu.memref_squeeze %dma_wait3A_464 : memref<1x512xi32, #tpu.memory_space<hbm>> -> memref<512xi32, #tpu.memory_space<hbm>>
    tpu.wait_dma2 semaphore(%arg13 : memref<!tpu.dma_semaphore, #tpu.memory_space<semaphore_mem>>) src(%dma_wait3A_465 : memref<512xi32, #tpu.memory_space<hbm>>) dst(%dma_wait3A_463 : memref<512xi32, #tpu.memory_space<vmem>>)
    %dma_wait3A_466 = arith.constant 25 : i32
    %dma_wait3A_467 = arith.constant 6144 : i32
    %dma_wait3A_468 = tpu.memref_slice %arg7[%dma_wait3A_467] : memref<6656xi32, #tpu.memory_space<vmem>> -> memref<512xi32, #tpu.memory_space<vmem>>
    %dma_wait3A_469 = tpu.memref_slice %arg2[%dma_wait3A_466, %mul3A_2] : memref<26x16384xi32, #tpu.memory_space<hbm>> -> memref<1x512xi32, #tpu.memory_space<hbm>>
    %dma_wait3A_470 = tpu.memref_squeeze %dma_wait3A_469 : memref<1x512xi32, #tpu.memory_space<hbm>> -> memref<512xi32, #tpu.memory_space<hbm>>
    %dma_wait3A_471 = arith.constant 6144 : i32
    %dma_wait3A_472 = tpu.memref_slice %arg7[%dma_wait3A_471] : memref<6656xi32, #tpu.memory_space<vmem>> -> memref<512xi32, #tpu.memory_space<vmem>>
    %dma_wait3A_473 = tpu.memref_slice %arg2[%dma_wait3A_466, %mul3A_2] : memref<26x16384xi32, #tpu.memory_space<hbm>> -> memref<1x512xi32, #tpu.memory_space<hbm>>
    %dma_wait3A_474 = tpu.memref_squeeze %dma_wait3A_473 : memref<1x512xi32, #tpu.memory_space<hbm>> -> memref<512xi32, #tpu.memory_space<hbm>>
    tpu.wait_dma2 semaphore(%arg13 : memref<!tpu.dma_semaphore, #tpu.memory_space<semaphore_mem>>) src(%dma_wait3A_474 : memref<512xi32, #tpu.memory_space<hbm>>) dst(%dma_wait3A_472 : memref<512xi32, #tpu.memory_space<vmem>>)
    %scan3A_475 = arith.constant 0 : i32
    %scan3A_476 = arith.constant 32 : i32
    %scan3A_477 = arith.addi %scan3A_475, %scan3A_476 : i32
    %scan3A_478 = arith.constant 1 : i32
    scf.for %scan3A_497 = %scan3A_475 to %scan3A_477 step %scan3A_478  : i32 {
      %mul3A_498 = arith.constant 16 : i32
      %mul3A_499 = arith.muli %scan3A_497, %mul3A_498 : i32
      %add3A_500 = arith.constant 0 : i32
      %add3A_501 = arith.addi %add3A_500, %mul3A_499 : i32
      %get3A_502 = arith.index_cast %add3A_501 : i32 to index
      %get3A_503 = tpu.vector_load %arg7[%get3A_502] {strides = array<i32>} : memref<6656xi32, #tpu.memory_space<vmem>>, vector<16xi32>,
      %add3A_504 = arith.constant 1300000 : i32
      %add3A_505 = vector.broadcast %add3A_504 : i32 to vector<16xi32>
      %add3A_506 = arith.addi %get3A_503, %add3A_505 : vector<16xi32>
      %swap3A = arith.index_cast %add3A_501 : i32 to index
      %swap3A_507 = tpu.vector_load %arg7[%swap3A] {strides = array<i32>} : memref<6656xi32, #tpu.memory_space<vmem>>, vector<16xi32>,
      tpu.vector_store %arg7[%swap3A], %add3A_506 {strides = array<i32>} : memref<6656xi32, #tpu.memory_space<vmem>>, vector<16xi32>,
      %mul3A_508 = arith.constant 16 : i32
      %mul3A_509 = arith.muli %scan3A_497, %mul3A_508 : i32
      %add3A_510 = arith.constant 512 : i32
      %add3A_511 = arith.addi %add3A_510, %mul3A_509 : i32
      %get3A_512 = arith.index_cast %add3A_511 : i32 to index
      %get3A_513 = tpu.vector_load %arg7[%get3A_512] {strides = array<i32>} : memref<6656xi32, #tpu.memory_space<vmem>>, vector<16xi32>,
      %add3A_514 = arith.constant 1400000 : i32
      %add3A_515 = vector.broadcast %add3A_514 : i32 to vector<16xi32>
      %add3A_516 = arith.addi %get3A_513, %add3A_515 : vector<16xi32>
      %swap3A_517 = arith.index_cast %add3A_511 : i32 to index
      %swap3A_518 = tpu.vector_load %arg7[%swap3A_517] {strides = array<i32>} : memref<6656xi32, #tpu.memory_space<vmem>>, vector<16xi32>,
      tpu.vector_store %arg7[%swap3A_517], %add3A_516 {strides = array<i32>} : memref<6656xi32, #tpu.memory_space<vmem>>, vector<16xi32>,
      %mul3A_519 = arith.constant 16 : i32
      %mul3A_520 = arith.muli %scan3A_497, %mul3A_519 : i32
      %add3A_521 = arith.constant 1024 : i32
      %add3A_522 = arith.addi %add3A_521, %mul3A_520 : i32
      %get3A_523 = arith.index_cast %add3A_522 : i32 to index
      %get3A_524 = tpu.vector_load %arg7[%get3A_523] {strides = array<i32>} : memref<6656xi32, #tpu.memory_space<vmem>>, vector<16xi32>,
      %add3A_525 = arith.constant 1500000 : i32
      %add3A_526 = vector.broadcast %add3A_525 : i32 to vector<16xi32>
      %add3A_527 = arith.addi %get3A_524, %add3A_526 : vector<16xi32>
      %swap3A_528 = arith.index_cast %add3A_522 : i32 to index
      %swap3A_529 = tpu.vector_load %arg7[%swap3A_528] {strides = array<i32>} : memref<6656xi32, #tpu.memory_space<vmem>>, vector<16xi32>,
      tpu.vector_store %arg7[%swap3A_528], %add3A_527 {strides = array<i32>} : memref<6656xi32, #tpu.memory_space<vmem>>, vector<16xi32>,
      %mul3A_530 = arith.constant 16 : i32
      %mul3A_531 = arith.muli %scan3A_497, %mul3A_530 : i32
      %add3A_532 = arith.constant 1536 : i32
      %add3A_533 = arith.addi %add3A_532, %mul3A_531 : i32
      %get3A_534 = arith.index_cast %add3A_533 : i32 to index
      %get3A_535 = tpu.vector_load %arg7[%get3A_534] {strides = array<i32>} : memref<6656xi32, #tpu.memory_space<vmem>>, vector<16xi32>,
      %add3A_536 = arith.constant 1600000 : i32
      %add3A_537 = vector.broadcast %add3A_536 : i32 to vector<16xi32>
      %add3A_538 = arith.addi %get3A_535, %add3A_537 : vector<16xi32>
      %swap3A_539 = arith.index_cast %add3A_533 : i32 to index
      %swap3A_540 = tpu.vector_load %arg7[%swap3A_539] {strides = array<i32>} : memref<6656xi32, #tpu.memory_space<vmem>>, vector<16xi32>,
      tpu.vector_store %arg7[%swap3A_539], %add3A_538 {strides = array<i32>} : memref<6656xi32, #tpu.memory_space<vmem>>, vector<16xi32>,
      %mul3A_541 = arith.constant 16 : i32
      %mul3A_542 = arith.muli %scan3A_497, %mul3A_541 : i32
      %add3A_543 = arith.constant 2048 : i32
      %add3A_544 = arith.addi %add3A_543, %mul3A_542 : i32
      %get3A_545 = arith.index_cast %add3A_544 : i32 to index
      %get3A_546 = tpu.vector_load %arg7[%get3A_545] {strides = array<i32>} : memref<6656xi32, #tpu.memory_space<vmem>>, vector<16xi32>,
      %add3A_547 = arith.constant 1700000 : i32
      %add3A_548 = vector.broadcast %add3A_547 : i32 to vector<16xi32>
      %add3A_549 = arith.addi %get3A_546, %add3A_548 : vector<16xi32>
      %swap3A_550 = arith.index_cast %add3A_544 : i32 to index
      %swap3A_551 = tpu.vector_load %arg7[%swap3A_550] {strides = array<i32>} : memref<6656xi32, #tpu.memory_space<vmem>>, vector<16xi32>,
      tpu.vector_store %arg7[%swap3A_550], %add3A_549 {strides = array<i32>} : memref<6656xi32, #tpu.memory_space<vmem>>, vector<16xi32>,
      %mul3A_552 = arith.constant 16 : i32
      %mul3A_553 = arith.muli %scan3A_497, %mul3A_552 : i32
      %add3A_554 = arith.constant 2560 : i32
      %add3A_555 = arith.addi %add3A_554, %mul3A_553 : i32
      %get3A_556 = arith.index_cast %add3A_555 : i32 to index
      %get3A_557 = tpu.vector_load %arg7[%get3A_556] {strides = array<i32>} : memref<6656xi32, #tpu.memory_space<vmem>>, vector<16xi32>,
      %add3A_558 = arith.constant 1800000 : i32
      %add3A_559 = vector.broadcast %add3A_558 : i32 to vector<16xi32>
      %add3A_560 = arith.addi %get3A_557, %add3A_559 : vector<16xi32>
      %swap3A_561 = arith.index_cast %add3A_555 : i32 to index
      %swap3A_562 = tpu.vector_load %arg7[%swap3A_561] {strides = array<i32>} : memref<6656xi32, #tpu.memory_space<vmem>>, vector<16xi32>,
      tpu.vector_store %arg7[%swap3A_561], %add3A_560 {strides = array<i32>} : memref<6656xi32, #tpu.memory_space<vmem>>, vector<16xi32>,
      %mul3A_563 = arith.constant 16 : i32
      %mul3A_564 = arith.muli %scan3A_497, %mul3A_563 : i32
      %add3A_565 = arith.constant 3072 : i32
      %add3A_566 = arith.addi %add3A_565, %mul3A_564 : i32
      %get3A_567 = arith.index_cast %add3A_566 : i32 to index
      %get3A_568 = tpu.vector_load %arg7[%get3A_567] {strides = array<i32>} : memref<6656xi32, #tpu.memory_space<vmem>>, vector<16xi32>,
      %add3A_569 = arith.constant 1900000 : i32
      %add3A_570 = vector.broadcast %add3A_569 : i32 to vector<16xi32>
      %add3A_571 = arith.addi %get3A_568, %add3A_570 : vector<16xi32>
      %swap3A_572 = arith.index_cast %add3A_566 : i32 to index
      %swap3A_573 = tpu.vector_load %arg7[%swap3A_572] {strides = array<i32>} : memref<6656xi32, #tpu.memory_space<vmem>>, vector<16xi32>,
      tpu.vector_store %arg7[%swap3A_572], %add3A_571 {strides = array<i32>} : memref<6656xi32, #tpu.memory_space<vmem>>, vector<16xi32>,
      %mul3A_574 = arith.constant 16 : i32
      %mul3A_575 = arith.muli %scan3A_497, %mul3A_574 : i32
      %add3A_576 = arith.constant 3584 : i32
      %add3A_577 = arith.addi %add3A_576, %mul3A_575 : i32
      %get3A_578 = arith.index_cast %add3A_577 : i32 to index
      %get3A_579 = tpu.vector_load %arg7[%get3A_578] {strides = array<i32>} : memref<6656xi32, #tpu.memory_space<vmem>>, vector<16xi32>,
      %add3A_580 = arith.constant 2000000 : i32
      %add3A_581 = vector.broadcast %add3A_580 : i32 to vector<16xi32>
      %add3A_582 = arith.addi %get3A_579, %add3A_581 : vector<16xi32>
      %swap3A_583 = arith.index_cast %add3A_577 : i32 to index
      %swap3A_584 = tpu.vector_load %arg7[%swap3A_583] {strides = array<i32>} : memref<6656xi32, #tpu.memory_space<vmem>>, vector<16xi32>,
      tpu.vector_store %arg7[%swap3A_583], %add3A_582 {strides = array<i32>} : memref<6656xi32, #tpu.memory_space<vmem>>, vector<16xi32>,
      %mul3A_585 = arith.constant 16 : i32
      %mul3A_586 = arith.muli %scan3A_497, %mul3A_585 : i32
      %add3A_587 = arith.constant 4096 : i32
      %add3A_588 = arith.addi %add3A_587, %mul3A_586 : i32
      %get3A_589 = arith.index_cast %add3A_588 : i32 to index
      %get3A_590 = tpu.vector_load %arg7[%get3A_589] {strides = array<i32>} : memref<6656xi32, #tpu.memory_space<vmem>>, vector<16xi32>,
      %add3A_591 = arith.constant 2100000 : i32
      %add3A_592 = vector.broadcast %add3A_591 : i32 to vector<16xi32>
      %add3A_593 = arith.addi %get3A_590, %add3A_592 : vector<16xi32>
      %swap3A_594 = arith.index_cast %add3A_588 : i32 to index
      %swap3A_595 = tpu.vector_load %arg7[%swap3A_594] {strides = array<i32>} : memref<6656xi32, #tpu.memory_space<vmem>>, vector<16xi32>,
      tpu.vector_store %arg7[%swap3A_594], %add3A_593 {strides = array<i32>} : memref<6656xi32, #tpu.memory_space<vmem>>, vector<16xi32>,
      %mul3A_596 = arith.constant 16 : i32
      %mul3A_597 = arith.muli %scan3A_497, %mul3A_596 : i32
      %add3A_598 = arith.constant 4608 : i32
      %add3A_599 = arith.addi %add3A_598, %mul3A_597 : i32
      %get3A_600 = arith.index_cast %add3A_599 : i32 to index
      %get3A_601 = tpu.vector_load %arg7[%get3A_600] {strides = array<i32>} : memref<6656xi32, #tpu.memory_space<vmem>>, vector<16xi32>,
      %add3A_602 = arith.constant 2200000 : i32
      %add3A_603 = vector.broadcast %add3A_602 : i32 to vector<16xi32>
      %add3A_604 = arith.addi %get3A_601, %add3A_603 : vector<16xi32>
      %swap3A_605 = arith.index_cast %add3A_599 : i32 to index
      %swap3A_606 = tpu.vector_load %arg7[%swap3A_605] {strides = array<i32>} : memref<6656xi32, #tpu.memory_space<vmem>>, vector<16xi32>,
      tpu.vector_store %arg7[%swap3A_605], %add3A_604 {strides = array<i32>} : memref<6656xi32, #tpu.memory_space<vmem>>, vector<16xi32>,
      %mul3A_607 = arith.constant 16 : i32
      %mul3A_608 = arith.muli %scan3A_497, %mul3A_607 : i32
      %add3A_609 = arith.constant 5120 : i32
      %add3A_610 = arith.addi %add3A_609, %mul3A_608 : i32
      %get3A_611 = arith.index_cast %add3A_610 : i32 to index
      %get3A_612 = tpu.vector_load %arg7[%get3A_611] {strides = array<i32>} : memref<6656xi32, #tpu.memory_space<vmem>>, vector<16xi32>,
      %add3A_613 = arith.constant 2300000 : i32
      %add3A_614 = vector.broadcast %add3A_613 : i32 to vector<16xi32>
      %add3A_615 = arith.addi %get3A_612, %add3A_614 : vector<16xi32>
      %swap3A_616 = arith.index_cast %add3A_610 : i32 to index
      %swap3A_617 = tpu.vector_load %arg7[%swap3A_616] {strides = array<i32>} : memref<6656xi32, #tpu.memory_space<vmem>>, vector<16xi32>,
      tpu.vector_store %arg7[%swap3A_616], %add3A_615 {strides = array<i32>} : memref<6656xi32, #tpu.memory_space<vmem>>, vector<16xi32>,
      %mul3A_618 = arith.constant 16 : i32
      %mul3A_619 = arith.muli %scan3A_497, %mul3A_618 : i32
      %add3A_620 = arith.constant 5632 : i32
      %add3A_621 = arith.addi %add3A_620, %mul3A_619 : i32
      %get3A_622 = arith.index_cast %add3A_621 : i32 to index
      %get3A_623 = tpu.vector_load %arg7[%get3A_622] {strides = array<i32>} : memref<6656xi32, #tpu.memory_space<vmem>>, vector<16xi32>,
      %add3A_624 = arith.constant 2400000 : i32
      %add3A_625 = vector.broadcast %add3A_624 : i32 to vector<16xi32>
      %add3A_626 = arith.addi %get3A_623, %add3A_625 : vector<16xi32>
      %swap3A_627 = arith.index_cast %add3A_621 : i32 to index
      %swap3A_628 = tpu.vector_load %arg7[%swap3A_627] {strides = array<i32>} : memref<6656xi32, #tpu.memory_space<vmem>>, vector<16xi32>,
      tpu.vector_store %arg7[%swap3A_627], %add3A_626 {strides = array<i32>} : memref<6656xi32, #tpu.memory_space<vmem>>, vector<16xi32>,
      %mul3A_629 = arith.constant 16 : i32
      %mul3A_630 = arith.muli %scan3A_497, %mul3A_629 : i32
      %add3A_631 = arith.constant 6144 : i32
      %add3A_632 = arith.addi %add3A_631, %mul3A_630 : i32
      %get3A_633 = arith.index_cast %add3A_632 : i32 to index
      %get3A_634 = tpu.vector_load %arg7[%get3A_633] {strides = array<i32>} : memref<6656xi32, #tpu.memory_space<vmem>>, vector<16xi32>,
      %add3A_635 = arith.constant 2500000 : i32
      %add3A_636 = vector.broadcast %add3A_635 : i32 to vector<16xi32>
      %add3A_637 = arith.addi %get3A_634, %add3A_636 : vector<16xi32>
      %swap3A_638 = arith.index_cast %add3A_632 : i32 to index
      %swap3A_639 = tpu.vector_load %arg7[%swap3A_638] {strides = array<i32>} : memref<6656xi32, #tpu.memory_space<vmem>>, vector<16xi32>,
      tpu.vector_store %arg7[%swap3A_638], %add3A_637 {strides = array<i32>} : memref<6656xi32, #tpu.memory_space<vmem>>, vector<16xi32>,
    }
    %scan3A_479 = arith.constant 32 : i32
    %dma_start3A_480 = arith.constant 0 : i32
    %dma_start3A_481 = tpu.memref_slice %arg3[%dma_start3A_480] : memref<2600000xf32, #tpu.memory_space<hbm>> -> memref<2600000xf32, #tpu.memory_space<hbm>>
    tpu.enqueue_indirect_dma source(%dma_start3A_481 : memref<2600000xf32, #tpu.memory_space<hbm>>) target(%arg9 : memref<6656xf32, #tpu.memory_space<vmem>>) offsets(%arg7 : memref<6656xi32, #tpu.memory_space<vmem>>) semaphore(%arg15 : memref<!tpu.dma_semaphore, #tpu.memory_space<semaphore_mem>>)
    %get3A = arith.constant 0 : index
    %get3A_482 = tpu.vector_load %arg11[%get3A] {strides = array<i32>} : memref<16xf32, #tpu.memory_space<vmem>>, vector<16xf32>,
    %dma_wait3A_483 = arith.constant 0 : i32
    %dma_wait3A_484 = tpu.memref_slice %arg3[%dma_wait3A_483] : memref<2600000xf32, #tpu.memory_space<hbm>> -> memref<2600000xf32, #tpu.memory_space<hbm>>
    tpu.wait_indirect_dma semaphore(%arg14 : memref<!tpu.dma_semaphore, #tpu.memory_space<semaphore_mem>>) src(%dma_wait3A_484 : memref<2600000xf32, #tpu.memory_space<hbm>>) dst(%arg8 : memref<6656xf32, #tpu.memory_space<vmem>>)
    %scan3A_485 = arith.constant 0 : i32
    %scan3A_486 = arith.constant 32 : i32
    %scan3A_487 = arith.addi %scan3A_485, %scan3A_486 : i32
    %scan3A_488 = arith.constant 1 : i32
    scf.for %scan3A_497 = %scan3A_485 to %scan3A_487 step %scan3A_488  : i32 {
      %mul3A_498 = arith.constant 16 : i32
      %mul3A_499 = arith.muli %scan3A_497, %mul3A_498 : i32
      %add3A_500 = arith.constant 0 : i32
      %add3A_501 = arith.addi %add3A_500, %mul3A_499 : i32
      %get3A_502 = arith.index_cast %add3A_501 : i32 to index
      %get3A_503 = tpu.vector_load %arg8[%get3A_502] {strides = array<i32>} : memref<6656xf32, #tpu.memory_space<vmem>>, vector<16xf32>,
      %add3A_504 = arith.addf %get3A_482, %get3A_503 : vector<16xf32>
      %mul3A_505 = arith.constant 16 : i32
      %mul3A_506 = arith.muli %scan3A_497, %mul3A_505 : i32
      %add3A_507 = arith.constant 512 : i32
      %add3A_508 = arith.addi %add3A_507, %mul3A_506 : i32
      %get3A_509 = arith.index_cast %add3A_508 : i32 to index
      %get3A_510 = tpu.vector_load %arg8[%get3A_509] {strides = array<i32>} : memref<6656xf32, #tpu.memory_space<vmem>>, vector<16xf32>,
      %add3A_511 = arith.addf %add3A_504, %get3A_510 : vector<16xf32>
      %mul3A_512 = arith.constant 16 : i32
      %mul3A_513 = arith.muli %scan3A_497, %mul3A_512 : i32
      %add3A_514 = arith.constant 1024 : i32
      %add3A_515 = arith.addi %add3A_514, %mul3A_513 : i32
      %get3A_516 = arith.index_cast %add3A_515 : i32 to index
      %get3A_517 = tpu.vector_load %arg8[%get3A_516] {strides = array<i32>} : memref<6656xf32, #tpu.memory_space<vmem>>, vector<16xf32>,
      %add3A_518 = arith.addf %add3A_511, %get3A_517 : vector<16xf32>
      %mul3A_519 = arith.constant 16 : i32
      %mul3A_520 = arith.muli %scan3A_497, %mul3A_519 : i32
      %add3A_521 = arith.constant 1536 : i32
      %add3A_522 = arith.addi %add3A_521, %mul3A_520 : i32
      %get3A_523 = arith.index_cast %add3A_522 : i32 to index
      %get3A_524 = tpu.vector_load %arg8[%get3A_523] {strides = array<i32>} : memref<6656xf32, #tpu.memory_space<vmem>>, vector<16xf32>,
      %add3A_525 = arith.addf %add3A_518, %get3A_524 : vector<16xf32>
      %mul3A_526 = arith.constant 16 : i32
      %mul3A_527 = arith.muli %scan3A_497, %mul3A_526 : i32
      %add3A_528 = arith.constant 2048 : i32
      %add3A_529 = arith.addi %add3A_528, %mul3A_527 : i32
      %get3A_530 = arith.index_cast %add3A_529 : i32 to index
      %get3A_531 = tpu.vector_load %arg8[%get3A_530] {strides = array<i32>} : memref<6656xf32, #tpu.memory_space<vmem>>, vector<16xf32>,
      %add3A_532 = arith.addf %add3A_525, %get3A_531 : vector<16xf32>
      %mul3A_533 = arith.constant 16 : i32
      %mul3A_534 = arith.muli %scan3A_497, %mul3A_533 : i32
      %add3A_535 = arith.constant 2560 : i32
      %add3A_536 = arith.addi %add3A_535, %mul3A_534 : i32
      %get3A_537 = arith.index_cast %add3A_536 : i32 to index
      %get3A_538 = tpu.vector_load %arg8[%get3A_537] {strides = array<i32>} : memref<6656xf32, #tpu.memory_space<vmem>>, vector<16xf32>,
      %add3A_539 = arith.addf %add3A_532, %get3A_538 : vector<16xf32>
      %mul3A_540 = arith.constant 16 : i32
      %mul3A_541 = arith.muli %scan3A_497, %mul3A_540 : i32
      %add3A_542 = arith.constant 3072 : i32
      %add3A_543 = arith.addi %add3A_542, %mul3A_541 : i32
      %get3A_544 = arith.index_cast %add3A_543 : i32 to index
      %get3A_545 = tpu.vector_load %arg8[%get3A_544] {strides = array<i32>} : memref<6656xf32, #tpu.memory_space<vmem>>, vector<16xf32>,
      %add3A_546 = arith.addf %add3A_539, %get3A_545 : vector<16xf32>
      %mul3A_547 = arith.constant 16 : i32
      %mul3A_548 = arith.muli %scan3A_497, %mul3A_547 : i32
      %add3A_549 = arith.constant 3584 : i32
      %add3A_550 = arith.addi %add3A_549, %mul3A_548 : i32
      %get3A_551 = arith.index_cast %add3A_550 : i32 to index
      %get3A_552 = tpu.vector_load %arg8[%get3A_551] {strides = array<i32>} : memref<6656xf32, #tpu.memory_space<vmem>>, vector<16xf32>,
      %add3A_553 = arith.addf %add3A_546, %get3A_552 : vector<16xf32>
      %mul3A_554 = arith.constant 16 : i32
      %mul3A_555 = arith.muli %scan3A_497, %mul3A_554 : i32
      %add3A_556 = arith.constant 4096 : i32
      %add3A_557 = arith.addi %add3A_556, %mul3A_555 : i32
      %get3A_558 = arith.index_cast %add3A_557 : i32 to index
      %get3A_559 = tpu.vector_load %arg8[%get3A_558] {strides = array<i32>} : memref<6656xf32, #tpu.memory_space<vmem>>, vector<16xf32>,
      %add3A_560 = arith.addf %add3A_553, %get3A_559 : vector<16xf32>
      %mul3A_561 = arith.constant 16 : i32
      %mul3A_562 = arith.muli %scan3A_497, %mul3A_561 : i32
      %add3A_563 = arith.constant 4608 : i32
      %add3A_564 = arith.addi %add3A_563, %mul3A_562 : i32
      %get3A_565 = arith.index_cast %add3A_564 : i32 to index
      %get3A_566 = tpu.vector_load %arg8[%get3A_565] {strides = array<i32>} : memref<6656xf32, #tpu.memory_space<vmem>>, vector<16xf32>,
      %add3A_567 = arith.addf %add3A_560, %get3A_566 : vector<16xf32>
      %mul3A_568 = arith.constant 16 : i32
      %mul3A_569 = arith.muli %scan3A_497, %mul3A_568 : i32
      %add3A_570 = arith.constant 5120 : i32
      %add3A_571 = arith.addi %add3A_570, %mul3A_569 : i32
      %get3A_572 = arith.index_cast %add3A_571 : i32 to index
      %get3A_573 = tpu.vector_load %arg8[%get3A_572] {strides = array<i32>} : memref<6656xf32, #tpu.memory_space<vmem>>, vector<16xf32>,
      %add3A_574 = arith.addf %add3A_567, %get3A_573 : vector<16xf32>
      %mul3A_575 = arith.constant 16 : i32
      %mul3A_576 = arith.muli %scan3A_497, %mul3A_575 : i32
      %add3A_577 = arith.constant 5632 : i32
      %add3A_578 = arith.addi %add3A_577, %mul3A_576 : i32
      %get3A_579 = arith.index_cast %add3A_578 : i32 to index
      %get3A_580 = tpu.vector_load %arg8[%get3A_579] {strides = array<i32>} : memref<6656xf32, #tpu.memory_space<vmem>>, vector<16xf32>,
      %add3A_581 = arith.addf %add3A_574, %get3A_580 : vector<16xf32>
      %mul3A_582 = arith.constant 16 : i32
      %mul3A_583 = arith.muli %scan3A_497, %mul3A_582 : i32
      %add3A_584 = arith.constant 6144 : i32
      %add3A_585 = arith.addi %add3A_584, %mul3A_583 : i32
      %get3A_586 = arith.index_cast %add3A_585 : i32 to index
      %get3A_587 = tpu.vector_load %arg8[%get3A_586] {strides = array<i32>} : memref<6656xf32, #tpu.memory_space<vmem>>, vector<16xf32>,
      %add3A_588 = arith.addf %add3A_581, %get3A_587 : vector<16xf32>
      %mul3A_589 = arith.constant 16 : i32
      %mul3A_590 = arith.muli %scan3A_497, %mul3A_589 : i32
      %swap3A = arith.index_cast %mul3A_590 : i32 to index
      %swap3A_591 = tpu.vector_load %arg10[%swap3A] {strides = array<i32>} : memref<512xf32, #tpu.memory_space<vmem>>, vector<16xf32>,
      tpu.vector_store %arg10[%swap3A], %add3A_588 {strides = array<i32>} : memref<512xf32, #tpu.memory_space<vmem>>, vector<16xf32>,
    }
    %scan3A_489 = arith.constant 32 : i32
    %dma_wait3A_490 = arith.constant 0 : i32
    %dma_wait3A_491 = tpu.memref_slice %arg3[%dma_wait3A_490] : memref<2600000xf32, #tpu.memory_space<hbm>> -> memref<2600000xf32, #tpu.memory_space<hbm>>
    tpu.wait_indirect_dma semaphore(%arg15 : memref<!tpu.dma_semaphore, #tpu.memory_space<semaphore_mem>>) src(%dma_wait3A_491 : memref<2600000xf32, #tpu.memory_space<hbm>>) dst(%arg9 : memref<6656xf32, #tpu.memory_space<vmem>>)
    %scan3A_492 = arith.constant 0 : i32
    %scan3A_493 = arith.constant 32 : i32
    %scan3A_494 = arith.addi %scan3A_492, %scan3A_493 : i32
    %scan3A_495 = arith.constant 1 : i32
    scf.for %scan3A_497 = %scan3A_492 to %scan3A_494 step %scan3A_495  : i32 {
      %mul3A_498 = arith.constant 16 : i32
      %mul3A_499 = arith.muli %scan3A_497, %mul3A_498 : i32
      %get3A_500 = arith.index_cast %mul3A_499 : i32 to index
      %get3A_501 = tpu.vector_load %arg10[%get3A_500] {strides = array<i32>} : memref<512xf32, #tpu.memory_space<vmem>>, vector<16xf32>,
      %mul3A_502 = arith.constant 16 : i32
      %mul3A_503 = arith.muli %scan3A_497, %mul3A_502 : i32
      %add3A_504 = arith.constant 0 : i32
      %add3A_505 = arith.addi %add3A_504, %mul3A_503 : i32
      %get3A_506 = arith.index_cast %add3A_505 : i32 to index
      %get3A_507 = tpu.vector_load %arg9[%get3A_506] {strides = array<i32>} : memref<6656xf32, #tpu.memory_space<vmem>>, vector<16xf32>,
      %add3A_508 = arith.addf %get3A_501, %get3A_507 : vector<16xf32>
      %mul3A_509 = arith.constant 16 : i32
      %mul3A_510 = arith.muli %scan3A_497, %mul3A_509 : i32
      %add3A_511 = arith.constant 512 : i32
      %add3A_512 = arith.addi %add3A_511, %mul3A_510 : i32
      %get3A_513 = arith.index_cast %add3A_512 : i32 to index
      %get3A_514 = tpu.vector_load %arg9[%get3A_513] {strides = array<i32>} : memref<6656xf32, #tpu.memory_space<vmem>>, vector<16xf32>,
      %add3A_515 = arith.addf %add3A_508, %get3A_514 : vector<16xf32>
      %mul3A_516 = arith.constant 16 : i32
      %mul3A_517 = arith.muli %scan3A_497, %mul3A_516 : i32
      %add3A_518 = arith.constant 1024 : i32
      %add3A_519 = arith.addi %add3A_518, %mul3A_517 : i32
      %get3A_520 = arith.index_cast %add3A_519 : i32 to index
      %get3A_521 = tpu.vector_load %arg9[%get3A_520] {strides = array<i32>} : memref<6656xf32, #tpu.memory_space<vmem>>, vector<16xf32>,
      %add3A_522 = arith.addf %add3A_515, %get3A_521 : vector<16xf32>
      %mul3A_523 = arith.constant 16 : i32
      %mul3A_524 = arith.muli %scan3A_497, %mul3A_523 : i32
      %add3A_525 = arith.constant 1536 : i32
      %add3A_526 = arith.addi %add3A_525, %mul3A_524 : i32
      %get3A_527 = arith.index_cast %add3A_526 : i32 to index
      %get3A_528 = tpu.vector_load %arg9[%get3A_527] {strides = array<i32>} : memref<6656xf32, #tpu.memory_space<vmem>>, vector<16xf32>,
      %add3A_529 = arith.addf %add3A_522, %get3A_528 : vector<16xf32>
      %mul3A_530 = arith.constant 16 : i32
      %mul3A_531 = arith.muli %scan3A_497, %mul3A_530 : i32
      %add3A_532 = arith.constant 2048 : i32
      %add3A_533 = arith.addi %add3A_532, %mul3A_531 : i32
      %get3A_534 = arith.index_cast %add3A_533 : i32 to index
      %get3A_535 = tpu.vector_load %arg9[%get3A_534] {strides = array<i32>} : memref<6656xf32, #tpu.memory_space<vmem>>, vector<16xf32>,
      %add3A_536 = arith.addf %add3A_529, %get3A_535 : vector<16xf32>
      %mul3A_537 = arith.constant 16 : i32
      %mul3A_538 = arith.muli %scan3A_497, %mul3A_537 : i32
      %add3A_539 = arith.constant 2560 : i32
      %add3A_540 = arith.addi %add3A_539, %mul3A_538 : i32
      %get3A_541 = arith.index_cast %add3A_540 : i32 to index
      %get3A_542 = tpu.vector_load %arg9[%get3A_541] {strides = array<i32>} : memref<6656xf32, #tpu.memory_space<vmem>>, vector<16xf32>,
      %add3A_543 = arith.addf %add3A_536, %get3A_542 : vector<16xf32>
      %mul3A_544 = arith.constant 16 : i32
      %mul3A_545 = arith.muli %scan3A_497, %mul3A_544 : i32
      %add3A_546 = arith.constant 3072 : i32
      %add3A_547 = arith.addi %add3A_546, %mul3A_545 : i32
      %get3A_548 = arith.index_cast %add3A_547 : i32 to index
      %get3A_549 = tpu.vector_load %arg9[%get3A_548] {strides = array<i32>} : memref<6656xf32, #tpu.memory_space<vmem>>, vector<16xf32>,
      %add3A_550 = arith.addf %add3A_543, %get3A_549 : vector<16xf32>
      %mul3A_551 = arith.constant 16 : i32
      %mul3A_552 = arith.muli %scan3A_497, %mul3A_551 : i32
      %add3A_553 = arith.constant 3584 : i32
      %add3A_554 = arith.addi %add3A_553, %mul3A_552 : i32
      %get3A_555 = arith.index_cast %add3A_554 : i32 to index
      %get3A_556 = tpu.vector_load %arg9[%get3A_555] {strides = array<i32>} : memref<6656xf32, #tpu.memory_space<vmem>>, vector<16xf32>,
      %add3A_557 = arith.addf %add3A_550, %get3A_556 : vector<16xf32>
      %mul3A_558 = arith.constant 16 : i32
      %mul3A_559 = arith.muli %scan3A_497, %mul3A_558 : i32
      %add3A_560 = arith.constant 4096 : i32
      %add3A_561 = arith.addi %add3A_560, %mul3A_559 : i32
      %get3A_562 = arith.index_cast %add3A_561 : i32 to index
      %get3A_563 = tpu.vector_load %arg9[%get3A_562] {strides = array<i32>} : memref<6656xf32, #tpu.memory_space<vmem>>, vector<16xf32>,
      %add3A_564 = arith.addf %add3A_557, %get3A_563 : vector<16xf32>
      %mul3A_565 = arith.constant 16 : i32
      %mul3A_566 = arith.muli %scan3A_497, %mul3A_565 : i32
      %add3A_567 = arith.constant 4608 : i32
      %add3A_568 = arith.addi %add3A_567, %mul3A_566 : i32
      %get3A_569 = arith.index_cast %add3A_568 : i32 to index
      %get3A_570 = tpu.vector_load %arg9[%get3A_569] {strides = array<i32>} : memref<6656xf32, #tpu.memory_space<vmem>>, vector<16xf32>,
      %add3A_571 = arith.addf %add3A_564, %get3A_570 : vector<16xf32>
      %mul3A_572 = arith.constant 16 : i32
      %mul3A_573 = arith.muli %scan3A_497, %mul3A_572 : i32
      %add3A_574 = arith.constant 5120 : i32
      %add3A_575 = arith.addi %add3A_574, %mul3A_573 : i32
      %get3A_576 = arith.index_cast %add3A_575 : i32 to index
      %get3A_577 = tpu.vector_load %arg9[%get3A_576] {strides = array<i32>} : memref<6656xf32, #tpu.memory_space<vmem>>, vector<16xf32>,
      %add3A_578 = arith.addf %add3A_571, %get3A_577 : vector<16xf32>
      %mul3A_579 = arith.constant 16 : i32
      %mul3A_580 = arith.muli %scan3A_497, %mul3A_579 : i32
      %add3A_581 = arith.constant 5632 : i32
      %add3A_582 = arith.addi %add3A_581, %mul3A_580 : i32
      %get3A_583 = arith.index_cast %add3A_582 : i32 to index
      %get3A_584 = tpu.vector_load %arg9[%get3A_583] {strides = array<i32>} : memref<6656xf32, #tpu.memory_space<vmem>>, vector<16xf32>,
      %add3A_585 = arith.addf %add3A_578, %get3A_584 : vector<16xf32>
      %mul3A_586 = arith.constant 16 : i32
      %mul3A_587 = arith.muli %scan3A_497, %mul3A_586 : i32
      %add3A_588 = arith.constant 6144 : i32
      %add3A_589 = arith.addi %add3A_588, %mul3A_587 : i32
      %get3A_590 = arith.index_cast %add3A_589 : i32 to index
      %get3A_591 = tpu.vector_load %arg9[%get3A_590] {strides = array<i32>} : memref<6656xf32, #tpu.memory_space<vmem>>, vector<16xf32>,
      %add3A_592 = arith.addf %add3A_585, %get3A_591 : vector<16xf32>
      %mul3A_593 = arith.constant 16 : i32
      %mul3A_594 = arith.muli %scan3A_497, %mul3A_593 : i32
      %swap3A = arith.index_cast %mul3A_594 : i32 to index
      %swap3A_595 = tpu.vector_load %arg10[%swap3A] {strides = array<i32>} : memref<512xf32, #tpu.memory_space<vmem>>, vector<16xf32>,
      tpu.vector_store %arg10[%swap3A], %add3A_592 {strides = array<i32>} : memref<512xf32, #tpu.memory_space<vmem>>, vector<16xf32>,
    }
    %scan3A_496 = arith.constant 32 : i32
    "tpu.region"() ({
      %run_scoped3A = tpu.sem_alloc : memref<!tpu.dma_semaphore, #tpu.memory_space<semaphore_mem>>
      %dma_start3A_497 = tpu.memref_slice %arg5[%mul3A_2] : memref<16384xf32, #tpu.memory_space<hbm>> -> memref<512xf32, #tpu.memory_space<hbm>>
      %dma_start3A_498 = tpu.memref_slice %arg5[%mul3A_2] : memref<16384xf32, #tpu.memory_space<hbm>> -> memref<512xf32, #tpu.memory_space<hbm>>
      tpu.enqueue_dma source(%arg10 : memref<512xf32, #tpu.memory_space<vmem>>) target(%dma_start3A_498 : memref<512xf32, #tpu.memory_space<hbm>>) target_semaphore(%run_scoped3A : memref<!tpu.dma_semaphore, #tpu.memory_space<semaphore_mem>>)
      %dma_wait3A_499 = tpu.memref_slice %arg5[%mul3A_2] : memref<16384xf32, #tpu.memory_space<hbm>> -> memref<512xf32, #tpu.memory_space<hbm>>
      %dma_wait3A_500 = tpu.memref_slice %arg5[%mul3A_2] : memref<16384xf32, #tpu.memory_space<hbm>> -> memref<512xf32, #tpu.memory_space<hbm>>
      tpu.wait_dma2 semaphore(%run_scoped3A : memref<!tpu.dma_semaphore, #tpu.memory_space<semaphore_mem>>) src(%arg10 : memref<512xf32, #tpu.memory_space<vmem>>) dst(%dma_wait3A_500 : memref<512xf32, #tpu.memory_space<hbm>>)
      tpu.yield
    }) : () -> ()
    return
  }
}

</mosaic_0001>

<sc_bundles>
// kernel: _features_linear.3.cloned.1.call-start
scs
__scs_entry_jumppad:
0x0: {  	(pc) =	sbr.rel $0x88, $3  }
0x1: {  	(tag) =	ssettag $0x0;
	lr =	simm.s32 $0x1  }
0x2: {  	[smem:$0x3F9E] =	sst lr;
	_ =	strace $0xD0000000  }
0x3: {  	_ = 	snop  }
0x4: {  	_ = 	snop  }
0x5: {  	_ = 	snop  }
0x6: {  	_ = 	snop  }
0x7: {  	_ = 	snop  }
__scs_overlays_trampoline_lowered:
0x8: {  	[smem:$0x3FAD] =	sst s0  }
0x9: {  	[smem:$0x3FAE] =	sst s1  }
0xa: {  	[smem:$0x3FAF] =	sst s2  }
0xb: {  	[smem:$0x3FB0] =	sst s3  }
0xc: {  	[smem:$0x3FB1] =	sst s4  }
0xd: {  	[smem:$0x3FB2] =	sst s5  }
0xe: {  	[smem:$0x3FB3] =	sst s6  }
0xf: {  	[smem:$0x3FB4] =	sst s7  }
0x10: {  	[smem:$0x3FB5] =	sst s8  }
0x11: {  	[smem:$0x3FB6] =	sst s9;
	s0 =	simm.s32 @!p0 $0x0  }
0x12: {  	s1 =	sld [smem:$0x3F9C];
	s0 =	simm.s32 @p0 $0x1  }
0x13: {  	[smem:$0x3FB7] =	sst s0;
	s0 =	simm.s32 @!p1 $0x0  }
0x14: {  	s2 =	sld [smem:$0x3F9B];
	s0 =	simm.s32 @p1 $0x1  }
0x15: {  	[smem:$0x3FB8] =	sst s0;
	s0 =	simm.s32 @!p2 $0x0  }
0x16: {  	s3 =	sld [smem:$0x3FDB];
	s0 =	simm.s32 @p2 $0x1  }
0x17: {  	s4 =	simm.s32 $0x1BF5;
	[smem:$0x3FBA] =	sst s0  }
0x18: {  	s0 =	sld [smem:$0x3F9D];
	_ =	swait.ge [sflag:s4], $0x0  }
0x19: {  	s7 =	sld [smem:$0x3F9E]  }
0x1a: {  	s8 =	sadd.s32 $0xFFFFE003, lr  }
0x1b: {  	s9 =	sadd.s32 $0xFFFFFEF7, lr;
	s5 =	simm.s32 $0xFFFFFFFF;
	p2 =	slt.u32 s8, $0xFFFFF086  }
0x1c: {  	p1 =	slt.u32 s9, $0xF7A;
	s5 =	simm.s32 @!p2 $0x0  }
0x1d: {  	s5 =	simm.s32 @p1 $0x1;
	p0 =	seq.s32 s7, s2  }
0x1e: {  	s7 =	smul.u32 @!p0 $0xF7A, s2;
	p2 =	seq.s32 @!p0 s5, $0x0  }
0x1f: {  	s9 =	smul.u32 $0xF7A, s1;
	s8 =	simm.s32 @!p0 $0x1BF5;
	p2 =	por !p2, p0  }
0x20: {  	[sflag:s8] =	ssyncset.s32 @!p0 $0xFFFFF086;
	s6 =	sadd.s32 @!p0 s3, s7;
	s7 =	simm.s32 @!p0 $0x108  }
0x21: {  	s3 =	sadd.s32 s3, s9;
	s6 =	sadd.s32 @!p0 $0x88, s6;
	s7 =	simm.s32 @p2 $0x1082  }
0x22: {  	[simem:s7], [sflag:s8] =	dma.local @!p0 [hbm:s6], $0xF7A  }
0x23: {  	s9 =	sor.u32 $0xD0000000, s2;
	s6 =	simm.s32 $0x108;
	_ =	swait.ge @!p0 [sflag:s8], $0x0  }
0x24: {  	s3 =	sadd.s32 $0x88, s3;
	s6 =	simm.s32 @!p1 $0x1082;
	[sflag:s4] =	ssyncset.s32 $0xFFFFF086  }
0x25: {  	[simem:s6], [sflag:s4] =	dma.local [hbm:s3], $0xF7A  }
0x26: {  	[smem:$0x3F9E] =	sst s1;
	(tag) =	ssettag s2;
	_ =	strace s9  }
0x27: {  	s1 =	sld [smem:$0x3FAE]  }
0x28: {  	s2 =	sld [smem:$0x3FAF]  }
0x29: {  	s4 =	sld [smem:$0x3FB1]  }
0x2a: {  	p0 =	seq.s32 s5, $0x0;
	s5 =	sld [smem:$0x3FB2]  }
0x2b: {  	s6 =	sld [smem:$0x3FB3]  }
0x2c: {  	s7 =	sld [smem:$0x3FB4]  }
0x2d: {  	s3 =	simm.s32 $0x108;
	s8 =	sld [smem:$0x3FB5]  }
0x2e: {  	s3 =	simm.s32 @!p0 $0x1082;
	s9 =	sld [smem:$0x3FB6]  }
0x2f: {  	lr =	sadd.s32 s0, s3;
	s0 =	sld [smem:$0x3FAD]  }
0x30: {  	s3 =	sld [smem:$0x3FB0]  }
0x31: {  	[smem:$0x3FB9] =	sst s10  }
0x32: {  	s10 =	sld [smem:$0x3FB7];
	_ =	sdelay $0x3  }
0x33: {  	p0 =	seq.s32 s10, $0x1;
	s10 =	sld [smem:$0x3FB9];
	_ =	sdelay $0x3  }
0x34: {  	[smem:$0x3FB9] =	sst s10  }
0x35: {  	s10 =	sld [smem:$0x3FB8];
	_ =	sdelay $0x3  }
0x36: {  	p1 =	seq.s32 s10, $0x1;
	s10 =	sld [smem:$0x3FB9];
	_ =	sdelay $0x3  }
0x37: {  	[smem:$0x3FB9] =	sst s10  }
0x38: {  	s10 =	sld [smem:$0x3FBA]  }
0x39: {  	_ = 	snop;
	(pc) =	sbr.ind lr, $3  }
0x3a: {  	_ = 	snop  }
0x3b: {  	_ = 	snop  }
0x3c: {  	p2 =	seq.s32 s10, $0x1;
	s10 =	sld [smem:$0x3FB9]  }
0x3d: {  	_ =	shalt  }
0x3e: {  	_ =	shalt  }
0x3f: {  	_ =	shalt  }
0x40: {  	_ =	shalt  }
0x41: {  	_ =	shalt  }
0x42: {  	_ =	shalt  }
0x43: {  	_ =	shalt  }
0x44: {  	_ =	shalt  }
0x45: {  	_ =	shalt  }
0x46: {  	_ =	shalt  }
0x47: {  	_ =	shalt  }
0x48: {  	_ =	shalt  }
0x49: {  	_ =	shalt  }
0x4a: {  	_ =	shalt  }
0x4b: {  	_ =	shalt  }
0x4c: {  	_ =	shalt  }
0x4d: {  	_ =	shalt  }
0x4e: {  	_ =	shalt  }
0x4f: {  	_ =	shalt  }
0x50: {  	_ =	shalt  }
0x51: {  	_ =	shalt  }
0x52: {  	_ =	shalt  }
0x53: {  	_ =	shalt  }
0x54: {  	_ =	shalt  }
0x55: {  	_ =	shalt  }
0x56: {  	_ =	shalt  }
0x57: {  	_ =	shalt  }
0x58: {  	_ =	shalt  }
0x59: {  	_ =	shalt  }
0x5a: {  	_ =	shalt  }
0x5b: {  	_ =	shalt  }
0x5c: {  	_ =	shalt  }
0x5d: {  	_ =	shalt  }
0x5e: {  	_ =	shalt  }
0x5f: {  	_ =	shalt  }
0x60: {  	_ =	shalt  }
0x61: {  	_ =	shalt  }
0x62: {  	_ =	shalt  }
0x63: {  	_ =	shalt  }
0x64: {  	_ =	shalt  }
0x65: {  	_ =	shalt  }
0x66: {  	_ =	shalt  }
0x67: {  	_ =	shalt  }
0x68: {  	_ =	shalt  }
0x69: {  	_ =	shalt  }
0x6a: {  	_ =	shalt  }
0x6b: {  	_ =	shalt  }
0x6c: {  	_ =	shalt  }
0x6d: {  	_ =	shalt  }
0x6e: {  	_ =	shalt  }
0x6f: {  	_ =	shalt  }
0x70: {  	_ =	shalt  }
0x71: {  	_ =	shalt  }
0x72: {  	_ =	shalt  }
0x73: {  	_ =	shalt  }
0x74: {  	_ =	shalt  }
0x75: {  	_ =	shalt  }
0x76: {  	_ =	shalt  }
0x77: {  	_ =	shalt  }
0x78: {  	_ =	shalt  }
0x79: {  	_ =	shalt  }
0x7a: {  	_ =	shalt  }
0x7b: {  	_ =	shalt  }
0x7c: {  	_ =	shalt  }
0x7d: {  	_ =	shalt  }
0x7e: {  	_ =	shalt  }
0x7f: {  	_ =	shalt  }
0x80: {  	_ =	shalt  }
0x81: {  	_ =	shalt  }
0x82: {  	_ =	shalt  }
0x83: {  	_ =	shalt  }
0x84: {  	_ =	shalt  }
0x85: {  	_ =	shalt  }
0x86: {  	_ =	shalt  }
0x87: {  	_ =	shalt  }
.Lfunc_end0:
.L_simem_size_0:
called_computation_lowered:
.L_overlay_start_0:
0x88: {  	s2 =	sld [smem:$0x3FD9]  }
0x89: {  	s3 =	sld [smem:$0x3FFE];
	_ =	sdelay $0x1  }
0x8a: {  	s1 =	srdreg.scid  }
0x8b: {  	s0 =	sand.u32 $0x1, s1  }
0x8c: {  	s18 =	sshll.u32 s0, $0xA;
	s2 =	sadd.s32 s3, s2  }
0x8d: {  	s2 =	sadd.s32 s2, s18  }
0x8e: {  	[smem:$0x3FC5] =	sst s2  }
0x8f: {  	_ = 	snop  }
0x90: {  	s2 =	sld [smem:$0x3FC9]  }
0x91: {  	s19 =	sld [smem:$0x3FC8]  }
0x92: {  	s4 =	sld [smem:$0x3FC7]  }
0x93: {  	s5 =	sld [smem:$0x3FD0];
	(tm) =	ssettm $0x1  }
0x94: {  	s6 =	sld [smem:$0x3FFB];
	_ =	sdelay $0x3  }
0x95: {  	_ =	strace s6  }
0x96: {  	s6 =	sld [smem:$0x3FFC];
	_ =	sdelay $0x3  }
0x97: {  	_ =	strace s6  }
0x98: {  	s6 =	sld [smem:$0x3FFD];
	_ =	sdelay $0x3  }
0x99: {  	_ =	strace s6  }
0x9a: {  	_ =	strace $0x8FFFFFFF  }
0x9b: {  	s20 =	sld [smem:$0x3FDB];
	_ =	sdelay $0x1  }
0x9c: {  	s7 =	simm.s32 $_scs_section_size  }
0x9d: {  	s8 =	simm.s32 $_size__tile_overlayer_lowered;
	s9 =	simm.s32 $_tile_overlayer_lowered  }
0x9e: {  	s23 =	simm.s32 $0x1BFF;
	s22 =	sshll.u32 s9, $0x1;
	s6 =	sadd.s32 s7, s20  }
0x9f: {  	s10 =	simm.s32 $0x0;
	s21 =	sshll.u32 s8, $0x1;
	s8 =	sadd.s32 s22, s6  }
0xa0: {  	[timem:s10], [sflag:s23] =	dma.local [hbm:s8], s21  }
0xa1: {  	_ =	swait.ge [sflag:s23], s21  }
0xa2: {  	s7 =	ssub.s32 $0x0, s21;
	[sflag:s23] =	ssyncset.done $0x0  }
0xa3: {  	[sflag:s23] =	ssyncadd.s32 s7;
	_ =	sdelay $0x1  }
0xa4: {  	s24 =	simm.s32 $0x1B8B  }
0xa5: {  	_ =	swait.ge [sflag:s24], $0x1  }
0xa6: {  	[sflag:s24] =	ssyncset.done $0x0  }
0xa7: {  	s25 =	simm.s32 $0x1B8E;
	[sflag:s24] =	ssyncadd.s32 $0xFFFFFFFF  }
0xa8: {  	s26 =	simm.s32 $execute0_lowered;
	[smem:$0x3FD2] =	sst s25  }
0xa9: {  	s7 =	sshll.u32 s26, $0x1;
	_ =	strace $0x80000046;
	[dreg:$0x1] =	wrdreg $0xFFFFFFFF  }
0xaa: {  	s28 =	simm.s32 $_size_execute0_lowered;
	s6 =	sadd.s32 s6, s7;
	[dreg:$0x0] =	wrdreg $0x0  }
0xab: {  	s7 =	sshll.u32 s28, $0x1;
	[dreg:$0x2] =	wrdreg s6  }
0xac: {  	[dreg:$0x3] =	wrdreg s7  }
0xad: {  	[dreg:$0x4] =	wrdreg $0xC0  }
0xae: {  	_ =	task [dreg:s10], $0x5FFFF  }
0xaf: {  	[dreg:$0x1] =	wrdreg $0xFFFFFFFF  }
0xb0: {  	[dreg:$0x0] =	wrdreg $0x60  }
0xb1: {  	[dreg:$0x2] =	wrdreg s2  }
0xb2: {  	[dreg:$0x3] =	wrdreg s19  }
0xb3: {  	[dreg:$0x4] =	wrdreg s4  }
0xb4: {  	[dreg:$0x5] =	wrdreg s5  }
0xb5: {  	[dreg:$0x6] =	wrdreg $0x9  }
0xb6: {  	_ =	task.clear_ibuf [dreg:s10], $0x7FFFF;
	_ =	strace $0x90000046  }
0xb7: {  	s29 =	simm.s32 $0x9;
	_ =	strace $0x80000048  }
0xb8: {  	_ =	swait.ge [sflag:s29], $0x1  }
0xb9: {  	[sflag:s29] =	ssyncadd.s32 $0xFFFFFFFF  }
0xba: {  	_ =	strace $0x90000048  }
0xbb: {  	_ =	sfence  }
0xbc: {  	s30 =	sld [smem:$0x0];
	_ =	sdelay $0x2  }
0xbd: {  	s31 =	sshll.u32 s1, $0xD;
	s1 =	sshrl.u32 s1, $0x2  }
0xbe: {  	s3 =	sand.u32 $0x4000, s31;
	s1 =	sadd.s32 s1, s30  }
0xbf: {  	s0 =	sor.u32 s3, s0;
	s1 =	sshll.u32 s1, $0x11  }
0xc0: {  	s0 =	sor.u32 s1, s0  }
0xc1: {  	s0 =	sadd.s32 $0x8F2B, s0  }
0xc2: {  	[sflag:s0] =	ssyncadd.remote.s32 $0x1  }
0xc3: {  	_ =	sfence.sel $0xFFFF  }
0xc4: {  	[dreg:$0x0] =	wrdreg $0xFFFFFFFF;
	(pc) =	sbr.abs _section_cstart, $3  }
0xc5: {  	[dreg:$0x1] =	wrdreg $0xFFFFFFFF  }
0xc6: {  	_ =	task.clear_ibuf [dreg:s10], $0x2FFFF;
	_ =	strace $0x9FFFFFFF  }
0xc7: {  	(tm) =	ssettm $0x7FFFFFFF  }
tec
execute0_lowered:
.L_overlay_start_1:
0x0: {  	(tag) =	ssettag $0x1  }
0x1: {  	s0 =	rddreg [dreg:$0x0]  }
0x2: {  	s17 =	rddreg [dreg:$0x1];
	s1 =	srdreg.scid  }
0x3: {  	s2 =	rddreg [dreg:$0x3];
	s3 =	stileid.u32;
	s1 =	sand.u32 $0x1, s1  }
0x4: {  	s4 =	simm.s32 $0x0;
	s3 =	sshll.u32 s3, $0xA;
	s5 =	sshll.u32 s1, $0x9  }
0x5: {  	s7 =	simm.s32 $0x5;
	s8 =	simm.s32 $0x1;
	s3 =	sor.u32 s5, s3  }
0x6: {  	s9 =	simm.s32 $0x2;
	s10 =	simm.s32 $0x3;
	s5 =	sadd.s32 s0, s3  }
0x7: {  	[smem:$0x7FF] =	sst s4;
	s1 =	ssub.s32 $0x2, s1;
	s12 =	sadd.s32 $0x10, s5  }
0x8: {  	_ =	strace $0x80000047;
	s13 =	sadd.s32 $0x20, s5;
	[dreg:$0x5] =	wrdreg s12  }
0x9: {  	s6 =	sshrl.u32 s1, $0x1;
	s14 =	sadd.s32 $0x30, s5;
	[dreg:$0x6] =	wrdreg s13  }
0xa: {  	s11 =	ssub.s32 s1, s6;
	s15 =	sadd.s32 $0x40, s5;
	[dreg:$0x7] =	wrdreg s14  }
0xb: {  	s26 =	sshrl.u32 s3, $0x3;
	s16 =	sadd.s32 $0x50, s5;
	[dreg:$0x8] =	wrdreg s15  }
0xc: {  	s3 =	simm.s32 $0x80;
	s18 =	sadd.s32 $0x60, s5;
	[dreg:$0x9] =	wrdreg s16  }
0xd: {  	s6 =	simm.s32 $0x1A00;
	s19 =	sadd.s32 $0x70, s5;
	[dreg:$0xa] =	wrdreg s18  }
0xe: {  	s20 =	sadd.s32 $0x4000, s5;
	s21 =	sadd.s32 $0x4010, s5;
	[dreg:$0xb] =	wrdreg s19  }
0xf: {  	s22 =	sadd.s32 $0x4020, s5;
	s23 =	sadd.s32 $0x4030, s5;
	[dreg:$0xc] =	wrdreg s20  }
0x10: {  	s24 =	sadd.s32 $0x4040, s5;
	s25 =	sadd.s32 $0x4050, s5;
	[dreg:$0xd] =	wrdreg s21  }
0x11: {  	s28 =	sadd.s32 $0x8040, s5;
	s29 =	sadd.s32 $0x8050, s5;
	[dreg:$0xe] =	wrdreg s22  }
0x12: {  	s30 =	sadd.s32 $0x8060, s5;
	s31 =	sadd.s32 $0x8070, s5;
	[dreg:$0xf] =	wrdreg s23  }
0x13: {  	s0 =	sadd.s32 $0xC000, s5;
	s1 =	sadd.s32 $0xC010, s5;
	[dreg:$0x10] =	wrdreg s24  }
0x14: {  	[dreg:$0x11] =	wrdreg s25;
	s19 =	sadd.s32 $0x4060, s5;
	s20 =	sadd.s32 $0x4070, s5  }
0x15: {  	s21 =	sadd.s32 $0x8000, s5;
	s22 =	sadd.s32 $0x8010, s5;
	s23 =	sadd.s32 s2, s26  }
0x16: {  	s24 =	sadd.s32 $0x8020, s5;
	s25 =	smax.u32 s11, $0x1;
	s26 =	sadd.s32 $0x8030, s5  }
0x17: {  	s2 =	simm.s32 $0x400;
	s11 =	simm.s32 $0x4;
	s12 =	simm.s32 $0x0  }
.LBB2_1:
0x18: {  	[tilespmem:s4], [sflag:$0x1] =	stream.strided.gather [hbm4b:s5+s3], $0x200, s2, s3, $0x38;
	[tilespmem:$0x6A80] =	vst v63  }
0x19: {  	s13 =	rddreg [dreg:$0x5];
	s14 =	simm.s32 $0x200  }
0x1a: {  	[tilespmem:s14], [sflag:$0x1] =	stream.strided.gather [hbm4b:s13+s3], $0x200, s2, s3, $0x38;
	[tilespmem:$0x6A80] =	vst v63  }
0x1b: {  	s18 =	rddreg [dreg:$0x6]  }
0x1c: {  	[tilespmem:s2], [sflag:$0x1] =	stream.strided.gather [hbm4b:s18+s3], $0x200, s2, s3, $0x38;
	[tilespmem:$0x6A80] =	vst v63  }
0x1d: {  	s15 =	simm.s32 $0x600;
	s14 =	rddreg [dreg:$0x7]  }
0x1e: {  	[tilespmem:s15], [sflag:$0x1] =	stream.strided.gather [hbm4b:s14+s3], $0x200, s2, s3, $0x38;
	[tilespmem:$0x6A80] =	vst v63  }
0x1f: {  	s16 =	rddreg [dreg:$0x8];
	s18 =	simm.s32 $0x800  }
0x20: {  	[tilespmem:s18], [sflag:$0x1] =	stream.strided.gather [hbm4b:s16+s3], $0x200, s2, s3, $0x38;
	[tilespmem:$0x6A80] =	vst v63  }
0x21: {  	s14 =	rddreg [dreg:$0x9];
	s15 =	simm.s32 $0xA00  }
0x22: {  	[tilespmem:s15], [sflag:$0x1] =	stream.strided.gather [hbm4b:s14+s3], $0x200, s2, s3, $0x38;
	[tilespmem:$0x6A80] =	vst v63  }
0x23: {  	s16 =	rddreg [dreg:$0xa];
	s18 =	simm.s32 $0xC00  }
0x24: {  	[tilespmem:s18], [sflag:$0x1] =	stream.strided.gather [hbm4b:s16+s3], $0x200, s2, s3, $0x38;
	[tilespmem:$0x6A80] =	vst v63  }
0x25: {  	s14 =	rddreg [dreg:$0xb];
	s15 =	simm.s32 $0xE00  }
0x26: {  	[tilespmem:s15], [sflag:$0x1] =	stream.strided.gather [hbm4b:s14+s3], $0x200, s2, s3, $0x38;
	[tilespmem:$0x6A80] =	vst v63  }
0x27: {  	s16 =	rddreg [dreg:$0xc];
	s18 =	simm.s32 $0x1000  }
0x28: {  	[tilespmem:s18], [sflag:$0x1] =	stream.strided.gather [hbm4b:s16+s3], $0x200, s2, s3, $0x38;
	[tilespmem:$0x6A80] =	vst v63  }
0x29: {  	s14 =	rddreg [dreg:$0xd];
	s15 =	simm.s32 $0x1200  }
0x2a: {  	[tilespmem:s15], [sflag:$0x1] =	stream.strided.gather [hbm4b:s14+s3], $0x200, s2, s3, $0x38;
	[tilespmem:$0x6A80] =	vst v63  }
0x2b: {  	s16 =	rddreg [dreg:$0xe];
	s18 =	simm.s32 $0x1400  }
0x2c: {  	[tilespmem:s18], [sflag:$0x1] =	stream.strided.gather [hbm4b:s16+s3], $0x200, s2, s3, $0x38;
	[tilespmem:$0x6A80] =	vst v63  }
0x2d: {  	s14 =	rddreg [dreg:$0xf];
	s15 =	simm.s32 $0x1600  }
0x2e: {  	[tilespmem:s15], [sflag:$0x1] =	stream.strided.gather [hbm4b:s14+s3], $0x200, s2, s3, $0x38;
	[tilespmem:$0x6A80] =	vst v63  }
0x2f: {  	s16 =	rddreg [dreg:$0x10];
	s18 =	simm.s32 $0x1800  }
0x30: {  	[tilespmem:s18], [sflag:$0x1] =	stream.strided.gather [hbm4b:s16+s3], $0x200, s2, s3, $0x38;
	[tilespmem:$0x6A80] =	vst v63  }
0x31: {  	s15 =	rddreg [dreg:$0x11]  }
0x32: {  	[tilespmem:s6], [sflag:$0x2] =	stream.strided.gather [hbm4b:s15+s3], $0x200, s2, s3, $0x38;
	[tilespmem:$0x6A80] =	vst v63  }
0x33: {  	s16 =	simm.s32 $0x1C00  }
0x34: {  	[tilespmem:s16], [sflag:$0x2] =	stream.strided.gather [hbm4b:s19+s3], $0x200, s2, s3, $0x38;
	[tilespmem:$0x6A80] =	vst v63  }
0x35: {  	s18 =	simm.s32 $0x1E00  }
0x36: {  	[tilespmem:s18], [sflag:$0x2] =	stream.strided.gather [hbm4b:s20+s3], $0x200, s2, s3, $0x38;
	[tilespmem:$0x6A80] =	vst v63  }
0x37: {  	s14 =	simm.s32 $0x2000  }
0x38: {  	[tilespmem:s14], [sflag:$0x2] =	stream.strided.gather [hbm4b:s21+s3], $0x200, s2, s3, $0x38;
	[tilespmem:$0x6A80] =	vst v63  }
0x39: {  	s15 =	simm.s32 $0x2200  }
0x3a: {  	[tilespmem:s15], [sflag:$0x2] =	stream.strided.gather [hbm4b:s22+s3], $0x200, s2, s3, $0x38;
	[tilespmem:$0x6A80] =	vst v63  }
0x3b: {  	s16 =	simm.s32 $0x2400  }
0x3c: {  	[tilespmem:s16], [sflag:$0x2] =	stream.strided.gather [hbm4b:s24+s3], $0x200, s2, s3, $0x38;
	[tilespmem:$0x6A80] =	vst v63  }
0x3d: {  	s18 =	simm.s32 $0x2600  }
0x3e: {  	[tilespmem:s18], [sflag:$0x2] =	stream.strided.gather [hbm4b:s26+s3], $0x200, s2, s3, $0x38;
	[tilespmem:$0x6A80] =	vst v63  }
0x3f: {  	s14 =	simm.s32 $0x2800  }
0x40: {  	[tilespmem:s14], [sflag:$0x2] =	stream.strided.gather [hbm4b:s28+s3], $0x200, s2, s3, $0x38;
	[tilespmem:$0x6A80] =	vst v63  }
0x41: {  	s15 =	simm.s32 $0x2A00  }
0x42: {  	[tilespmem:s15], [sflag:$0x2] =	stream.strided.gather [hbm4b:s29+s3], $0x200, s2, s3, $0x38;
	[tilespmem:$0x6A80] =	vst v63  }
0x43: {  	s16 =	simm.s32 $0x2C00  }
0x44: {  	[tilespmem:s16], [sflag:$0x2] =	stream.strided.gather [hbm4b:s30+s3], $0x200, s2, s3, $0x38;
	[tilespmem:$0x6A80] =	vst v63  }
0x45: {  	s18 =	simm.s32 $0x2E00  }
0x46: {  	[tilespmem:s18], [sflag:$0x2] =	stream.strided.gather [hbm4b:s31+s3], $0x200, s2, s3, $0x38;
	[tilespmem:$0x6A80] =	vst v63  }
0x47: {  	s14 =	simm.s32 $0x3000  }
0x48: {  	[tilespmem:s14], [sflag:$0x2] =	stream.strided.gather [hbm4b:s0+s3], $0x200, s2, s3, $0x38;
	[tilespmem:$0x6A80] =	vst v63  }
0x49: {  	s15 =	simm.s32 $0x3200  }
0x4a: {  	[tilespmem:s15], [sflag:$0x2] =	stream.strided.gather [hbm4b:s1+s3], $0x200, s2, s3, $0x38;
	[tilespmem:$0x6A80] =	vst v63  }
0x4b: {  	s16 =	rddreg [dreg:$0x2];
	s18 =	simm.s32 $0x6A00  }
0x4c: {  	[tilespmem:s18], [sflag:$0x5] =	stream.linear.gather [hbm4b:s16+s4], $0x80, $0x38;
	[tilespmem:$0x6A80] =	vst v63  }
0x4d: {  	_ =	swait.ge [sflag:s7], $0x80  }
0x4e: {  	[sflag:s7] =	ssyncset.done $0x0  }
0x4f: {  	[sflag:s7] =	ssyncadd.s32 $0xFFFFFF80  }
0x50: {  	_ =	swait.ge [sflag:s8], $0x200  }
0x51: {  	[sflag:s8] =	ssyncset.done $0x0  }
0x52: {  	[sflag:s8] =	ssyncadd.s32 $0xFFFFFE00  }
0x53: {  	_ =	swait.ge [sflag:s8], $0x200  }
0x54: {  	[sflag:s8] =	ssyncset.done $0x0  }
0x55: {  	[sflag:s8] =	ssyncadd.s32 $0xFFFFFE00  }
0x56: {  	_ =	swait.ge [sflag:s8], $0x200  }
0x57: {  	[sflag:s8] =	ssyncset.done $0x0  }
0x58: {  	[sflag:s8] =	ssyncadd.s32 $0xFFFFFE00  }
0x59: {  	_ =	swait.ge [sflag:s8], $0x200  }
0x5a: {  	[sflag:s8] =	ssyncset.done $0x0  }
0x5b: {  	[sflag:s8] =	ssyncadd.s32 $0xFFFFFE00  }
0x5c: {  	_ =	swait.ge [sflag:s8], $0x200  }
0x5d: {  	[sflag:s8] =	ssyncset.done $0x0  }
0x5e: {  	[sflag:s8] =	ssyncadd.s32 $0xFFFFFE00  }
0x5f: {  	_ =	swait.ge [sflag:s8], $0x200  }
0x60: {  	[sflag:s8] =	ssyncset.done $0x0  }
0x61: {  	[sflag:s8] =	ssyncadd.s32 $0xFFFFFE00  }
0x62: {  	_ =	swait.ge [sflag:s8], $0x200  }
0x63: {  	[sflag:s8] =	ssyncset.done $0x0  }
0x64: {  	[sflag:s8] =	ssyncadd.s32 $0xFFFFFE00  }
0x65: {  	_ =	swait.ge [sflag:s8], $0x200  }
0x66: {  	[sflag:s8] =	ssyncset.done $0x0  }
0x67: {  	[sflag:s8] =	ssyncadd.s32 $0xFFFFFE00  }
0x68: {  	_ =	swait.ge [sflag:s8], $0x200  }
0x69: {  	[sflag:s8] =	ssyncset.done $0x0  }
0x6a: {  	[sflag:s8] =	ssyncadd.s32 $0xFFFFFE00  }
0x6b: {  	_ =	swait.ge [sflag:s8], $0x200  }
0x6c: {  	[sflag:s8] =	ssyncset.done $0x0  }
0x6d: {  	[sflag:s8] =	ssyncadd.s32 $0xFFFFFE00  }
0x6e: {  	_ =	swait.ge [sflag:s8], $0x200  }
0x6f: {  	[sflag:s8] =	ssyncset.done $0x0  }
0x70: {  	[sflag:s8] =	ssyncadd.s32 $0xFFFFFE00  }
0x71: {  	_ =	swait.ge [sflag:s8], $0x200  }
0x72: {  	[sflag:s8] =	ssyncset.done $0x0  }
0x73: {  	[sflag:s8] =	ssyncadd.s32 $0xFFFFFE00  }
0x74: {  	_ =	swait.ge [sflag:s8], $0x200  }
0x75: {  	[sflag:s8] =	ssyncset.done $0x0  }
0x76: {  	s13 =	sand.u32 $0x1F0, s4;
	[sflag:s8] =	ssyncadd.s32 $0xFFFFFE00  }
0x77: {  	v0 =	vld [tilespmem:s13+$0x200]  }
0x78: {  	v1 =	vld [tilespmem:s13+$0x400]  }
0x79: {  	v2 =	vld [tilespmem:s13+$0x600]  }
0x7a: {  	v3 =	vld [tilespmem:s13+$0x800]  }
0x7b: {  	v4 =	vld [tilespmem:s13+$0xA00]  }
0x7c: {  	v5 =	vld [tilespmem:s13+$0xC00];
	v0 =	vadd.s32 $0x186A0, v0  }
0x7d: {  	[tilespmem:s13+$0x200] =	vst v0;
	v0 =	vadd.s32 $0x30D40, v1;
	v1 =	vld [tilespmem:s13+$0xE00]  }
0x7e: {  	v2 =	vadd.s32 $0x493E0, v2;
	[tilespmem:s13+$0x400] =	vst v0;
	v0 =	vld [tilespmem:s13+$0x1000]  }
0x7f: {  	v3 =	vadd.s32 $0x61A80, v3;
	[tilespmem:s13+$0x600] =	vst v2;
	v2 =	vld [tilespmem:s13+$0x1200]  }
0x80: {  	v4 =	vadd.s32 $0x7A120, v4;
	[tilespmem:s13+$0x800] =	vst v3;
	v3 =	vld [tilespmem:s13+$0x1400]  }
0x81: {  	s14 =	simm.s32 $0x10;
	v5 =	vadd.s32 $0x927C0, v5;
	[tilespmem:s13+$0xA00] =	vst v4;
	v4 =	vld [tilespmem:s13+$0x1600]  }
.LBB2_2:
0x82: {  	s15 =	sand.u32 $0x1F0, s14;
	p0 =	sne.s32 s14, $0x1F0;
	[tilespmem:s13+$0xC00] =	vst v5;
	v1 =	vadd.s32 $0xAAE60, v1;
	v5 =	vld [tilespmem:s13+$0x1800]  }
0x83: {  	v6 =	vld [tilespmem:s15+$0x200];
	[tilespmem:s13+$0xE00] =	vst v1;
	v0 =	vadd.s32 $0xC3500, v0  }
0x84: {  	v1 =	vld [tilespmem:s15+$0x400];
	[tilespmem:s13+$0x1000] =	vst v0;
	v0 =	vadd.s32 $0xDBBA0, v2  }
0x85: {  	v2 =	vld [tilespmem:s15+$0x600];
	[tilespmem:s13+$0x1200] =	vst v0;
	v0 =	vadd.s32 $0xF4240, v3  }
0x86: {  	v3 =	vld [tilespmem:s15+$0x800];
	[tilespmem:s13+$0x1400] =	vst v0;
	v0 =	vadd.s32 $0x10C8E0, v4  }
0x87: {  	v4 =	vld [tilespmem:s15+$0xA00];
	[tilespmem:s13+$0x1600] =	vst v0;
	v0 =	vadd.s32 $0x124F80, v5  }
0x88: {  	v5 =	vadd.s32 $0x186A0, v6;
	v6 =	vld [tilespmem:s15+$0xC00];
	[tilespmem:s13+$0x1800] =	vst v0;
	s13 =	smov.u32 s15  }
.Ltmp0:
0x89: {  	[tilespmem:s13+$0x200] =	vst v5;
	v0 =	vadd.s32 $0x30D40, v1;
	v1 =	vld [tilespmem:s13+$0xE00];
	(pc) =	sbr.rel @p0 .LBB2_2-.Ltmp0, $4  }
0x8a: {  	[tilespmem:s13+$0x400] =	vst v0;
	v2 =	vadd.s32 $0x493E0, v2;
	v0 =	vld [tilespmem:s13+$0x1000]  }
0x8b: {  	[tilespmem:s13+$0x600] =	vst v2;
	v3 =	vadd.s32 $0x61A80, v3;
	v2 =	vld [tilespmem:s13+$0x1200]  }
0x8c: {  	[tilespmem:s13+$0x800] =	vst v3;
	v4 =	vadd.s32 $0x7A120, v4;
	v3 =	vld [tilespmem:s13+$0x1400]  }
0x8d: {  	s14 =	sadd.s32 $0x10, s14;
	[tilespmem:s13+$0xA00] =	vst v4;
	v5 =	vadd.s32 $0x927C0, v6;
	v4 =	vld [tilespmem:s13+$0x1600]  }
0x8e: {  	[tilespmem:s13+$0xC00] =	vst v5;
	v1 =	vadd.s32 $0xAAE60, v1;
	v5 =	vld [tilespmem:s13+$0x1800]  }
0x8f: {  	[tilespmem:s13+$0xE00] =	vst v1;
	v0 =	vadd.s32 $0xC3500, v0  }
0x90: {  	[tilespmem:s13+$0x1000] =	vst v0;
	v0 =	vadd.s32 $0xDBBA0, v2  }
0x91: {  	[tilespmem:s13+$0x1200] =	vst v0;
	v0 =	vadd.s32 $0xF4240, v3  }
0x92: {  	[tilespmem:s13+$0x1400] =	vst v0;
	v0 =	vadd.s32 $0x10C8E0, v4  }
0x93: {  	[tilespmem:s13+$0x1600] =	vst v0;
	v0 =	vadd.s32 $0x124F80, v5  }
0x94: {  	s14 =	simm.s32 $0x0;
	s15 =	simm.s32 $0x3400;
	[tilespmem:s13+$0x1800] =	vst v0;
	s13 =	simm.s32 $0x1A00  }
0x95: {  	[tilespmem:s15], [sflag:$0x3] =	stream.indirect.gather [hbm4b:s17+s13], $0x1, s14, s13, $0xb8;
	[tilespmem:$0x6A80] =	vst v63  }
0x96: {  	_ =	swait.ge [sflag:s9], $0x200  }
0x97: {  	[sflag:s9] =	ssyncset.done $0x0  }
0x98: {  	[sflag:s9] =	ssyncadd.s32 $0xFFFFFE00  }
0x99: {  	_ =	swait.ge [sflag:s9], $0x200  }
0x9a: {  	[sflag:s9] =	ssyncset.done $0x0  }
0x9b: {  	[sflag:s9] =	ssyncadd.s32 $0xFFFFFE00  }
0x9c: {  	_ =	swait.ge [sflag:s9], $0x200  }
0x9d: {  	[sflag:s9] =	ssyncset.done $0x0  }
0x9e: {  	[sflag:s9] =	ssyncadd.s32 $0xFFFFFE00  }
0x9f: {  	_ =	swait.ge [sflag:s9], $0x200  }
0xa0: {  	[sflag:s9] =	ssyncset.done $0x0  }
0xa1: {  	[sflag:s9] =	ssyncadd.s32 $0xFFFFFE00  }
0xa2: {  	_ =	swait.ge [sflag:s9], $0x200  }
0xa3: {  	[sflag:s9] =	ssyncset.done $0x0  }
0xa4: {  	[sflag:s9] =	ssyncadd.s32 $0xFFFFFE00  }
0xa5: {  	_ =	swait.ge [sflag:s9], $0x200  }
0xa6: {  	[sflag:s9] =	ssyncset.done $0x0  }
0xa7: {  	[sflag:s9] =	ssyncadd.s32 $0xFFFFFE00  }
0xa8: {  	_ =	swait.ge [sflag:s9], $0x200  }
0xa9: {  	[sflag:s9] =	ssyncset.done $0x0  }
0xaa: {  	[sflag:s9] =	ssyncadd.s32 $0xFFFFFE00  }
0xab: {  	_ =	swait.ge [sflag:s9], $0x200  }
0xac: {  	[sflag:s9] =	ssyncset.done $0x0  }
0xad: {  	[sflag:s9] =	ssyncadd.s32 $0xFFFFFE00  }
0xae: {  	_ =	swait.ge [sflag:s9], $0x200  }
0xaf: {  	[sflag:s9] =	ssyncset.done $0x0  }
0xb0: {  	[sflag:s9] =	ssyncadd.s32 $0xFFFFFE00  }
0xb1: {  	_ =	swait.ge [sflag:s9], $0x200  }
0xb2: {  	[sflag:s9] =	ssyncset.done $0x0  }
0xb3: {  	[sflag:s9] =	ssyncadd.s32 $0xFFFFFE00  }
0xb4: {  	_ =	swait.ge [sflag:s9], $0x200  }
0xb5: {  	[sflag:s9] =	ssyncset.done $0x0  }
0xb6: {  	[sflag:s9] =	ssyncadd.s32 $0xFFFFFE00  }
0xb7: {  	_ =	swait.ge [sflag:s9], $0x200  }
0xb8: {  	[sflag:s9] =	ssyncset.done $0x0  }
0xb9: {  	[sflag:s9] =	ssyncadd.s32 $0xFFFFFE00  }
0xba: {  	_ =	swait.ge [sflag:s9], $0x200  }
0xbb: {  	[sflag:s9] =	ssyncset.done $0x0  }
0xbc: {  	[sflag:s9] =	ssyncadd.s32 $0xFFFFFE00  }
0xbd: {  	v0 =	vld [tilespmem:s13+$0x0];
	_ =	sdelay $0x4  }
0xbe: {  	v0 =	vadd.s32 $0x13D620, v0  }
0xbf: {  	s14 =	sand.u32 $0x1F0, s14;
	[tilespmem:s13+$0x0] =	vst v0  }
0xc0: {  	v5 =	vld [tilespmem:s14+$0x3200]  }
0xc1: {  	v4 =	vld [tilespmem:s14+$0x2200]  }
0xc2: {  	v0 =	vld [tilespmem:s14+$0x3000]  }
0xc3: {  	v3 =	vld [tilespmem:s14+$0x2C00]  }
0xc4: {  	v2 =	vld [tilespmem:s14+$0x2A00]  }
0xc5: {  	s15 =	simm.s32 $0x10;
	v1 =	vld [tilespmem:s14+$0x2800];
	v5 =	vadd.s32 $0x2625A0, v5  }
.LBB2_4:
0xc6: {  	p0 =	sne.s32 s15, $0x1F0  }
0xc7: {  	v4 =	vadd.s32 $0x19F0A0, v4;
	v6 =	vld [tilespmem:s14+$0x2600];
	[tilespmem:s14+$0x3200] =	vst v5;
	s13 =	sadd.s32 $0x10, s13;
	s16 =	smov.u32 s15;
	s15 =	sadd.s32 $0x10, s15  }
0xc8: {  	v5 =	vld [tilespmem:s14+$0x1E00];
	[tilespmem:s14+$0x2200] =	vst v4  }
0xc9: {  	v0 =	vadd.s32 $0x249F00, v0;
	v3 =	vadd.s32 $0x2191C0, v3;
	v4 =	vld [tilespmem:s14+$0x2E00]  }
0xca: {  	v7 =	vld [tilespmem:s14+$0x2400];
	v2 =	vadd.s32 $0x200B20, v2;
	[tilespmem:s14+$0x2C00] =	vst v3  }
0xcb: {  	v3 =	vld [tilespmem:s14+$0x2000];
	v1 =	vadd.s32 $0x1E8480, v1;
	[tilespmem:s14+$0x2A00] =	vst v2  }
0xcc: {  	v2 =	vld [tilespmem:s14+$0x1C00];
	v6 =	vadd.s32 $0x1CFDE0, v6;
	[tilespmem:s14+$0x2800] =	vst v1  }
0xcd: {  	v1 =	vadd.s32 $0x16E360, v5;
	[tilespmem:s14+$0x2600] =	vst v6  }
0xce: {  	[tilespmem:s14+$0x1E00] =	vst v1  }
0xcf: {  	v4 =	vadd.s32 $0x231860, v4;
	v1 =	vadd.s32 $0x1B7740, v7;
	[tilespmem:s14+$0x3000] =	vst v0  }
0xd0: {  	v0 =	vadd.s32 $0x186A00, v3;
	[tilespmem:s14+$0x2400] =	vst v1  }
0xd1: {  	v1 =	vadd.s32 $0x155CC0, v2;
	[tilespmem:s14+$0x2000] =	vst v0  }
0xd2: {  	[tilespmem:s14+$0x2E00] =	vst v4  }
0xd3: {  	[tilespmem:s14+$0x1C00] =	vst v1  }
0xd4: {  	v0 =	vld [tilespmem:s13+$0x0];
	_ =	sdelay $0x4  }
0xd5: {  	v0 =	vadd.s32 $0x13D620, v0  }
0xd6: {  	s14 =	sand.u32 $0x1F0, s16;
	[tilespmem:s13+$0x0] =	vst v0  }
0xd7: {  	v5 =	vld [tilespmem:s14+$0x3200]  }
.Ltmp1:
0xd8: {  	v4 =	vld [tilespmem:s14+$0x2200];
	(pc) =	sbr.rel @p0 .LBB2_4-.Ltmp1, $4  }
0xd9: {  	v0 =	vld [tilespmem:s14+$0x3000]  }
0xda: {  	v3 =	vld [tilespmem:s14+$0x2C00]  }
0xdb: {  	v2 =	vld [tilespmem:s14+$0x2A00]  }
0xdc: {  	v1 =	vld [tilespmem:s14+$0x2800];
	v5 =	vadd.s32 $0x2625A0, v5  }
0xdd: {  	v6 =	vld [tilespmem:s14+$0x2600];
	[tilespmem:s14+$0x3200] =	vst v5;
	v4 =	vadd.s32 $0x19F0A0, v4  }
0xde: {  	v58 =	vld [tilespmem:s14+$0x1E00];
	[tilespmem:s14+$0x2200] =	vst v4;
	v0 =	vadd.s32 $0x249F00, v0  }
0xdf: {  	v7 =	vld [tilespmem:s14+$0x2400];
	v3 =	vadd.s32 $0x2191C0, v3;
	[tilespmem:s14+$0x3000] =	vst v0  }
0xe0: {  	v59 =	vld [tilespmem:s14+$0x2E00];
	[tilespmem:s14+$0x2C00] =	vst v3;
	v2 =	vadd.s32 $0x200B20, v2  }
0xe1: {  	v3 =	vld [tilespmem:s14+$0x2000];
	[tilespmem:s14+$0x2A00] =	vst v2;
	v1 =	vadd.s32 $0x1E8480, v1  }
0xe2: {  	v2 =	vld [tilespmem:s14+$0x1C00];
	v6 =	vadd.s32 $0x1CFDE0, v6;
	[tilespmem:s14+$0x2800] =	vst v1  }
0xe3: {  	v1 =	vadd.s32 $0x16E360, v58;
	[tilespmem:s14+$0x2600] =	vst v6  }
0xe4: {  	[tilespmem:s14+$0x1E00] =	vst v1;
	v1 =	vadd.s32 $0x1B7740, v7  }
0xe5: {  	[tilespmem:s14+$0x2400] =	vst v1;
	v1 =	vadd.s32 $0x231860, v59  }
0xe6: {  	v0 =	vadd.s32 $0x186A00, v3;
	[tilespmem:s14+$0x2E00] =	vst v1  }
0xe7: {  	[tilespmem:s14+$0x2000] =	vst v0;
	v0 =	vadd.s32 $0x155CC0, v2  }
0xe8: {  	s13 =	simm.s32 $0x4E00;
	[tilespmem:s14+$0x1C00] =	vst v0  }
0xe9: {  	[tilespmem:s13], [sflag:$0x4] =	stream.indirect.gather [hbm4b:s17+s6], $0x1, s6, s6, $0xb8;
	[tilespmem:$0x6A80] =	vst v63  }
0xea: {  	v0 =	vld [tilespmem:$0x6A00];
	_ =	swait.ge [sflag:s10], $0x1A00  }
0xeb: {  	[sflag:s10] =	ssyncset.done $0x0  }
0xec: {  	s15 =	simm.s32 $0x3400;
	[sflag:s10] =	ssyncadd.s32 $0xFFFFE600  }
0xed: {  	s16 =	simm.s32 $0x0;
	v1 =	vld [tilespmem:s15+$0x0]  }
0xee: {  	s18 =	smov.u32 s17;
	s17 =	sand.u32 $0x1F0, s16  }
0xef: {  	v2 =	vld [tilespmem:s17+$0x3600];
	_ =	sdelay $0x1  }
0xf0: {  	v3 =	vld [tilespmem:s17+$0x3800]  }
0xf1: {  	v1 =	vadd.f32 v1, v0  }
0xf2: {  	v60 =	vld [tilespmem:s17+$0x3A00]  }
0xf3: {  	v1 =	vadd.f32 v2, v1  }
0xf4: {  	v2 =	vld [tilespmem:s17+$0x3C00]  }
0xf5: {  	v1 =	vadd.f32 v3, v1  }
0xf6: {  	v3 =	vld [tilespmem:s17+$0x3E00]  }
0xf7: {  	v1 =	vadd.f32 v60, v1  }
0xf8: {  	v61 =	vld [tilespmem:s17+$0x4000]  }
0xf9: {  	v1 =	vadd.f32 v2, v1  }
0xfa: {  	v2 =	vld [tilespmem:s17+$0x4200]  }
0xfb: {  	v1 =	vadd.f32 v3, v1  }
0xfc: {  	v3 =	vld [tilespmem:s17+$0x4400]  }
0xfd: {  	v1 =	vadd.f32 v61, v1  }
0xfe: {  	v62 =	vld [tilespmem:s17+$0x4600]  }
0xff: {  	v1 =	vadd.f32 v2, v1  }
0x100: {  	v2 =	vld [tilespmem:s17+$0x4800]  }
0x101: {  	v1 =	vadd.f32 v3, v1  }
0x102: {  	v3 =	vld [tilespmem:s17+$0x4A00]  }
0x103: {  	v1 =	vadd.f32 v62, v1  }
0x104: {  	v63 =	vld [tilespmem:s17+$0x4C00]  }
0x105: {  	v1 =	vadd.f32 v2, v1;
	_ =	sdelay $0x1  }
0x106: {  	v1 =	vadd.f32 v3, v1;
	_ =	sdelay $0x1  }
0x107: {  	v1 =	vadd.f32 v63, v1  }
0x108: {  	s13 =	simm.s32 $0x6800  }
0x109: {  	s14 =	simm.s32 $0x3410;
	[tilespmem:s13+$0x0] =	vst v1  }
0x10a: {  	s16 =	simm.s32 $0x20;
	s15 =	simm.s32 $0x10;
	v1 =	vld [tilespmem:s14+$0x0]  }
.LBB2_6:
0x10b: {  	p0 =	sne.s32 s16, $0x1F0;
	s17 =	sand.u32 $0x1F0, s15;
	s15 =	smov.u32 s16  }
0x10c: {  	v2 =	vld [tilespmem:s17+$0x3600];
	_ =	sdelay $0x1  }
0x10d: {  	v3 =	vld [tilespmem:s17+$0x3800]  }
0x10e: {  	v1 =	vadd.f32 v1, v0  }
0x10f: {  	v4 =	vld [tilespmem:s17+$0x3A00]  }
0x110: {  	v1 =	vadd.f32 v2, v1  }
0x111: {  	v2 =	vld [tilespmem:s17+$0x3C00]  }
0x112: {  	v1 =	vadd.f32 v3, v1  }
0x113: {  	v3 =	vld [tilespmem:s17+$0x3E00]  }
0x114: {  	v1 =	vadd.f32 v4, v1  }
0x115: {  	v4 =	vld [tilespmem:s17+$0x4000]  }
0x116: {  	v1 =	vadd.f32 v2, v1  }
0x117: {  	v2 =	vld [tilespmem:s17+$0x4200]  }
0x118: {  	v1 =	vadd.f32 v3, v1  }
0x119: {  	v3 =	vld [tilespmem:s17+$0x4400]  }
0x11a: {  	v1 =	vadd.f32 v4, v1  }
0x11b: {  	v4 =	vld [tilespmem:s17+$0x4600]  }
0x11c: {  	v1 =	vadd.f32 v2, v1  }
0x11d: {  	v2 =	vld [tilespmem:s17+$0x4800]  }
0x11e: {  	v1 =	vadd.f32 v3, v1  }
0x11f: {  	v3 =	vld [tilespmem:s17+$0x4A00]  }
0x120: {  	v1 =	vadd.f32 v4, v1  }
0x121: {  	v4 =	vld [tilespmem:s17+$0x4C00]  }
0x122: {  	v1 =	vadd.f32 v2, v1;
	_ =	sdelay $0x1  }
0x123: {  	v1 =	vadd.f32 v3, v1  }
.Ltmp2:
0x124: {  	(pc) =	sbr.rel @p0 .LBB2_6-.Ltmp2, $4  }
0x125: {  	v1 =	vadd.f32 v4, v1  }
0x126: {  	s13 =	sadd.s32 $0x10, s13  }
0x127: {  	s14 =	sadd.s32 $0x10, s14;
	[tilespmem:s13+$0x0] =	vst v1  }
0x128: {  	s16 =	sadd.s32 $0x10, s16;
	v1 =	vld [tilespmem:s14+$0x0]  }
0x129: {  	s14 =	sand.u32 $0x1F0, s15  }
0x12a: {  	v2 =	vld [tilespmem:s14+$0x3600];
	_ =	sdelay $0x1  }
0x12b: {  	v3 =	vld [tilespmem:s14+$0x3800]  }
0x12c: {  	v0 =	vadd.f32 v1, v0  }
0x12d: {  	v1 =	vld [tilespmem:s14+$0x3A00]  }
0x12e: {  	v0 =	vadd.f32 v2, v0  }
0x12f: {  	v2 =	vld [tilespmem:s14+$0x3C00]  }
0x130: {  	v0 =	vadd.f32 v3, v0  }
0x131: {  	v3 =	vld [tilespmem:s14+$0x3E00]  }
0x132: {  	v0 =	vadd.f32 v1, v0  }
0x133: {  	v1 =	vld [tilespmem:s14+$0x4000]  }
0x134: {  	v0 =	vadd.f32 v2, v0  }
0x135: {  	v2 =	vld [tilespmem:s14+$0x4200]  }
0x136: {  	v0 =	vadd.f32 v3, v0  }
0x137: {  	v3 =	vld [tilespmem:s14+$0x4400]  }
0x138: {  	v0 =	vadd.f32 v1, v0  }
0x139: {  	v1 =	vld [tilespmem:s14+$0x4600]  }
0x13a: {  	v0 =	vadd.f32 v2, v0  }
0x13b: {  	v2 =	vld [tilespmem:s14+$0x4800]  }
0x13c: {  	v0 =	vadd.f32 v3, v0  }
0x13d: {  	v3 =	vld [tilespmem:s14+$0x4A00]  }
0x13e: {  	v0 =	vadd.f32 v1, v0  }
0x13f: {  	v1 =	vld [tilespmem:s14+$0x4C00]  }
0x140: {  	v0 =	vadd.f32 v2, v0;
	_ =	sdelay $0x1  }
0x141: {  	v0 =	vadd.f32 v3, v0;
	_ =	sdelay $0x1  }
0x142: {  	v0 =	vadd.f32 v1, v0  }
0x143: {  	s13 =	sadd.s32 $0x10, s13  }
0x144: {  	[tilespmem:s13+$0x0] =	vst v0  }
0x145: {  	_ =	swait.ge [sflag:s11], $0x1A00  }
0x146: {  	[sflag:s11] =	ssyncset.done $0x0  }
0x147: {  	s14 =	simm.s32 $0x4E00;
	[sflag:s11] =	ssyncadd.s32 $0xFFFFE600  }
0x148: {  	s13 =	simm.s32 $0x6800;
	v0 =	vld [tilespmem:s14+$0x0]  }
0x149: {  	s15 =	simm.s32 $0x0;
	s16 =	simm.s32 $0x10;
	v1 =	vld [tilespmem:s13+$0x0]  }
.LBB2_8:
0x14a: {  	p0 =	sne.s32 s16, $0x1F0;
	s17 =	sand.u32 $0x1F0, s15;
	s15 =	smov.u32 s16  }
0x14b: {  	v2 =	vld [tilespmem:s17+$0x5000];
	_ =	sdelay $0x1  }
0x14c: {  	v3 =	vld [tilespmem:s17+$0x5200]  }
0x14d: {  	v0 =	vadd.f32 v0, v1  }
0x14e: {  	v1 =	vld [tilespmem:s17+$0x5400]  }
0x14f: {  	v0 =	vadd.f32 v2, v0  }
0x150: {  	v2 =	vld [tilespmem:s17+$0x5600]  }
0x151: {  	v0 =	vadd.f32 v3, v0  }
0x152: {  	v3 =	vld [tilespmem:s17+$0x5800]  }
0x153: {  	v0 =	vadd.f32 v1, v0  }
0x154: {  	v1 =	vld [tilespmem:s17+$0x5A00]  }
0x155: {  	v0 =	vadd.f32 v2, v0  }
0x156: {  	v2 =	vld [tilespmem:s17+$0x5C00]  }
0x157: {  	v0 =	vadd.f32 v3, v0  }
0x158: {  	v3 =	vld [tilespmem:s17+$0x5E00]  }
0x159: {  	v0 =	vadd.f32 v1, v0  }
0x15a: {  	v1 =	vld [tilespmem:s17+$0x6000]  }
0x15b: {  	v0 =	vadd.f32 v2, v0  }
0x15c: {  	v2 =	vld [tilespmem:s17+$0x6200]  }
0x15d: {  	v0 =	vadd.f32 v3, v0  }
0x15e: {  	v3 =	vld [tilespmem:s17+$0x6400]  }
0x15f: {  	v0 =	vadd.f32 v1, v0  }
0x160: {  	v1 =	vld [tilespmem:s17+$0x6600]  }
0x161: {  	v0 =	vadd.f32 v2, v0;
	_ =	sdelay $0x1  }
0x162: {  	v0 =	vadd.f32 v3, v0;
	_ =	sdelay $0x1  }
.Ltmp3:
0x163: {  	v0 =	vadd.f32 v1, v0;
	(pc) =	sbr.rel @p0 .LBB2_8-.Ltmp3, $4  }
0x164: {  	_ = 	snop  }
0x165: {  	s14 =	sadd.s32 $0x10, s14;
	[tilespmem:s13+$0x0] =	vst v0  }
0x166: {  	s13 =	sadd.s32 $0x10, s13;
	v0 =	vld [tilespmem:s14+$0x0]  }
0x167: {  	s16 =	sadd.s32 $0x10, s16;
	v1 =	vld [tilespmem:s13+$0x0]  }
0x168: {  	s14 =	sand.u32 $0x1F0, s15  }
0x169: {  	v2 =	vld [tilespmem:s14+$0x5000];
	_ =	sdelay $0x1  }
0x16a: {  	v3 =	vld [tilespmem:s14+$0x5200]  }
0x16b: {  	v0 =	vadd.f32 v0, v1  }
0x16c: {  	v54 =	vld [tilespmem:s14+$0x5400]  }
0x16d: {  	v0 =	vadd.f32 v2, v0  }
0x16e: {  	v55 =	vld [tilespmem:s14+$0x5600]  }
0x16f: {  	v0 =	vadd.f32 v3, v0  }
0x170: {  	v56 =	vld [tilespmem:s14+$0x5800]  }
0x171: {  	v0 =	vadd.f32 v54, v0  }
0x172: {  	v57 =	vld [tilespmem:s14+$0x5A00]  }
0x173: {  	v0 =	vadd.f32 v55, v0  }
0x174: {  	v58 =	vld [tilespmem:s14+$0x5C00]  }
0x175: {  	v0 =	vadd.f32 v56, v0  }
0x176: {  	v59 =	vld [tilespmem:s14+$0x5E00]  }
0x177: {  	v0 =	vadd.f32 v57, v0  }
0x178: {  	v60 =	vld [tilespmem:s14+$0x6000]  }
0x179: {  	v0 =	vadd.f32 v58, v0  }
0x17a: {  	v61 =	vld [tilespmem:s14+$0x6200]  }
0x17b: {  	v0 =	vadd.f32 v59, v0  }
0x17c: {  	v62 =	vld [tilespmem:s14+$0x6400]  }
0x17d: {  	v0 =	vadd.f32 v60, v0  }
0x17e: {  	v63 =	vld [tilespmem:s14+$0x6600]  }
0x17f: {  	v0 =	vadd.f32 v61, v0;
	_ =	sdelay $0x1  }
0x180: {  	v0 =	vadd.f32 v62, v0;
	_ =	sdelay $0x1  }
0x181: {  	s12 =	sadd.s32 $0x1, s12;
	v0 =	vadd.f32 v63, v0  }
0x182: {  	p0 =	sne.s32 s12, s25  }
.Ltmp4:
0x183: {  	s17 =	simm.s32 $0x6800;
	[tilespmem:s13+$0x0] =	vst v0;
	(pc) =	sbr.rel @p0 .LBB2_1-.Ltmp4, $4  }
0x184: {  	[hbm4b:s23+s4] =	stream.linear.scatter [tilespmem:s17], [sflag:$0x5], $0x200, $0x38;
	[tilespmem:$0x6A80] =	vst v63  }
0x185: {  	_ =	swait.ge [sflag:s7], $0x200  }
0x186: {  	[sflag:s7] =	ssyncset.done $0x0  }
0x187: {  	s17 =	smov.u32 s18;
	[sflag:s7] =	ssyncadd.s32 $0xFFFFFE00  }
0x188: {  	_ =	sfence.sel $0x180000  }
0x189: {  	[bflag:$0x0] =	sbarrier.arrive $0xFFFF  }
0x18a: {  	_ =	strace $0x90000047  }
0x18b: {  	s0 =	stileid.u32;
	[bflag:$0x2] =	sbarrier.arrive $0xFFFF  }
0x18c: {  	p0 =	sne.s32 s0, $0x0;
	s0 =	rddreg [dreg:$0x4]  }
0x18d: {  	s0 =	sadd.s32 @!p0 $0x100000, s0  }
0x18e: {  	[sflag:s0] =	ssyncadd.tile.s32 @!p0 $0x1;
	_ =	shalt  }
.Lfunc_end2:
_tile_overlayer_lowered:
.L_overlay_start_2:
0x18f: {  	(tag) =	ssettag $0x2  }
0x190: {  	s0 =	rddreg [dreg:$0x0];
	s2 =	stileid.u32  }
0x191: {  	s1 =	rddreg [dreg:$0x1];
	p0 =	sne.s32 s2, $0x0  }
0x192: {  	s3 =	rddreg [dreg:$0x2];
	[bflag:$0x3] =	sbarrier.arrive $0xFFFF;
	s2 =	simm.s32 @!p0 $0x1C05  }
0x193: {  	[timem:s3], [sflag:s2] =	dma.local @!p0 [hbm:s0], s1  }
0x194: {  	s0 =	simm.s32 @!p0 $0x5  }
0x195: {  	_ =	swait.ge @!p0 [sflag:s0], s1  }
0x196: {  	s1 =	ssub.s32 @!p0 $0x0, s1;
	[sflag:s0] =	ssyncset.done @!p0 $0x0  }
0x197: {  	[sflag:s0] =	ssyncadd.s32 @!p0 s1  }
0x198: {  	[bflag:$0x3] =	sbarrier.arrive $0xFFFF  }
0x199: {  	_ =	shalt  }

</sc_bundles>
